<compile_context>
chip_gen: v7x
topology: tpu7x:2x2x1
jax: 0.10.2.dev20260603
libtpu: 0.0.44.dev20260713+nightly
codegen_flags: <defaults>
</compile_context>

<pallas_src>
import functools
import math

import jax
import jax.numpy as jnp
import numpy as np
from jax import lax
from jax.experimental import pallas as pl
from jax.experimental.pallas import tpu as pltpu
from jax.experimental.pallas import tpu_sc as plsc

_B = 128
_V = 100000
_L = 8
_SMOOTHING = 0.1
_BASE = float(np.float32(_SMOOTHING / (_V - _L)))
_HI = float(np.float32((1.0 - _SMOOTHING) / _L))
_C_UNIQ = _HI * math.log(_HI) - _BASE * math.log(_BASE)
_C_ENT = _B * _V * _BASE * math.log(_BASE)

_NC, _NS = 2, 16
_NW = _NC * _NS
_RPW = _B // _NW
_IPW = _RPW * _L

_RBLK = 25000
_NBLK = _V // _RBLK


def _sc_label_partials(labels_flat, out_flat):
    mesh = plsc.VectorSubcoreMesh(core_axis_name="c", subcore_axis_name="s")

    @functools.partial(
        pl.kernel,
        mesh=mesh,
        out_type=(
            jax.ShapeDtypeStruct((_NW, 16), jnp.float32),
            jax.ShapeDtypeStruct((_NW, 16), jnp.float32),
        ),
        scratch_types=[
            pltpu.VMEM((_IPW,), jnp.int32),
            pltpu.VMEM((_IPW,), jnp.int32),
            pltpu.VMEM((_IPW,), jnp.float32),
            pltpu.VMEM((16,), jnp.float32),
            pltpu.VMEM((16,), jnp.float32),
            pltpu.SemaphoreType.DMA,
        ],
    )
    def sc_kernel(labels_hbm, x_hbm, g_hbm, u_hbm,
                  lab_v, idx_v, val_v, gst_v, ust_v, sem):
        wid = lax.axis_index("s") * _NC + lax.axis_index("c")
        base = wid * _IPW
        pltpu.sync_copy(labels_hbm.at[pl.ds(base, _IPW)], lab_v)
        lane = lax.iota(jnp.int32, 16)
        seg_row = lax.shift_right_logical(lane, 3)
        for seg in range(_IPW // 16):
            lv = lab_v[pl.ds(seg * 16, 16)]
            rows = wid * _RPW + seg * 2 + seg_row
            idx_v[pl.ds(seg * 16, 16)] = lv * _B + rows
        pltpu.async_copy(x_hbm.at[idx_v], val_v, sem).wait()
        g_acc = jnp.zeros((16,), jnp.float32)
        u_acc = jnp.zeros((16,), jnp.float32)
        for seg in range(_IPW // 16):
            k = idx_v[pl.ds(seg * 16, 16)]
            v = val_v[pl.ds(seg * 16, 16)]
            cnt = jnp.zeros((16,), jnp.float32)
            for t in range(16):
                s = k[t]
                cnt = cnt + jnp.where(k == s, 1.0, 0.0)
            inv = 1.0 / cnt
            g_acc = g_acc + v * inv
            u_acc = u_acc + inv
        gst_v[...] = g_acc
        ust_v[...] = u_acc
        pltpu.sync_copy(gst_v, g_hbm.at[wid])
        pltpu.sync_copy(ust_v, u_hbm.at[wid])

    return sc_kernel(labels_flat, out_flat)


_CHUNK = 5000
_NCHUNK = _V // _CHUNK
_NBUF = 4


def _tc_reduce_and_combine(xr, g_part, u_part):

    def body(x_hbm, g_ref, u_ref, o_ref, *scr):
        bufs, sems = scr[:_NBUF], scr[_NBUF:]

        def start(c):
            pltpu.make_async_copy(
                x_hbm.at[pl.ds(c * _CHUNK, _CHUNK)], bufs[c % _NBUF],
                sems[c % _NBUF]).start()

        for c in range(_NBUF - 1):
            start(c)
        acc = jnp.zeros((8, _B), jnp.float32)
        for c in range(_NCHUNK):
            pltpu.make_async_copy(
                x_hbm.at[pl.ds(c * _CHUNK, _CHUNK)], bufs[c % _NBUF],
                sems[c % _NBUF]).wait()
            nxt = c + _NBUF - 1
            if nxt < _NCHUNK:
                start(nxt)
            acc = acc + jnp.sum(
                bufs[c % _NBUF][...].reshape(_CHUNK // 8, 8, _B), axis=0)
        s_tot = jnp.sum(acc)
        g_tot = jnp.sum(g_ref[...])
        u_tot = jnp.sum(u_ref[...])
        o_ref[0, 0] = (u_tot * _C_UNIQ + _C_ENT
                       - _BASE * s_tot - (_HI - _BASE) * g_tot) / _B

    return pl.pallas_call(
        body,
        in_specs=[
            pl.BlockSpec(memory_space=pl.ANY),
            pl.BlockSpec(memory_space=pltpu.VMEM),
            pl.BlockSpec(memory_space=pltpu.VMEM),
        ],
        out_specs=pl.BlockSpec(memory_space=pltpu.SMEM),
        out_shape=jax.ShapeDtypeStruct((1, 1), jnp.float32),
        scratch_shapes=(
            [pltpu.VMEM((_CHUNK, _B), jnp.float32) for _ in range(_NBUF)]
            + [pltpu.SemaphoreType.DMA for _ in range(_NBUF)]
        ),
    )(xr, g_part, u_part)


def kernel(mode, output, output_m, batch_labels):
    del mode, output_m
    out_t = output.T
    out_flat = out_t.reshape(_V * _B)
    labels_flat = batch_labels.astype(jnp.int32).reshape(_B * _L)
    g_part, u_part = _sc_label_partials(labels_flat, out_flat)
    loss = _tc_reduce_and_combine(out_t, g_part, u_part)
    return loss[0, 0]

# --- scband reference (transcript-rebuilt; emitter-appended) ---
"""Pipeline reference for scband-loss-compute-38869454029281 (READ-ONLY COPY).

The authoritative reference and input builder live on the scoring server;
editing this copy changes nothing except your own understanding.
"""

import jax, jax.numpy as jnp
import numpy as np

V = 100000
L = 8
SMOOTHING = 0.1
ALPHA = 0.02


def setup_inputs(seed: int = 0) -> dict:
    key = jax.random.key(seed)
    k1, k2, k3 = jax.random.split(key, 3)
    output = jax.random.normal(k1, (128, V), dtype=jnp.float32)
    output_m = jax.random.normal(k2, (128, V), dtype=jnp.float32)
    batch_labels = jax.random.randint(k3, (128, L), 0, V)
    return {"mode": 1, "output": output, "output_m": output_m, "batch_labels": batch_labels}


def _kl_batchmean(inp, tgt):
    # torch.nn.KLDivLoss(reduction='batchmean'): sum(target * (log(target) - input)) / batch
    # 0 * log(0) treated as 0 (targets here are strictly positive due to smoothing)
    return jnp.sum(tgt * (jnp.log(jnp.clip(tgt, 1e-38, None)) - inp)) / inp.shape[0]


def reference(mode, output, output_m, batch_labels):
    B = output.shape[0]
    len_set = batch_labels.shape[1]
    # build smoothed target distributions: fill then scatter-overwrite at label positions
    dists = jnp.full((B, V), SMOOTHING / (V - len_set), dtype=jnp.float32)
    rows = jnp.arange(B)[:, None]
    dists = dists.at[rows, batch_labels].set((1.0 - SMOOTHING) / len_set)
    if mode == '3' or mode == '4':
        return (1.0 - ALPHA) * _kl_batchmean(output, dists) + ALPHA * _kl_batchmean(jnp.exp(output), jnp.exp(output_m))
    else:
        return _kl_batchmean(output, dists)

if __name__ == "__main__":
    import jax
    _d = setup_inputs()
    print(jax.jit(kernel)(*tuple(_d.values())))

</pallas_src>

<mosaic_0001>
#map = affine_map<(d0, d1) -> (0)>
#map1 = affine_map<(d0, d1) -> (0, 0)>
module attributes {stable_mosaic.version = 14 : i64} {
  func.func @sc_kernel(%arg0: i32, %arg1: i32, %arg2: memref<1024xi32, #tpu.memory_space<hbm>>, %arg3: memref<12800000xf32, #tpu.memory_space<hbm>>, %arg4: memref<32x16xf32, #tpu.memory_space<hbm>>, %arg5: memref<32x16xf32, #tpu.memory_space<hbm>>, %arg6: memref<32xi32, #tpu.memory_space<vmem>>, %arg7: memref<32xi32, #tpu.memory_space<vmem>>, %arg8: memref<32xf32, #tpu.memory_space<vmem>>, %arg9: memref<16xf32, #tpu.memory_space<vmem>>, %arg10: memref<16xf32, #tpu.memory_space<vmem>>, %arg11: memref<!tpu.dma_semaphore, #tpu.memory_space<semaphore_mem>>) attributes {dimension_semantics = [#tpu.dimension_semantics<core_parallel>, #tpu.dimension_semantics<subcore_parallel>], iteration_bounds = array<i64: 2, 16>, scalar_prefetch = 0 : i64, scratch_operands = 6 : i64, tpu.core_type = #tpu.core_type<sc_vector_subcore>, window_params = [{transform_indices = #map}, {transform_indices = #map}, {transform_indices = #map1}, {transform_indices = #map1}]} {
    %mul3A = arith.constant 2 : i32
    %mul3A_0 = arith.muli %arg1, %mul3A : i32
    %add3A = arith.addi %mul3A_0, %arg0 : i32
    %mul3A_1 = arith.constant 32 : i32
    %mul3A_2 = arith.muli %add3A, %mul3A_1 : i32
    "tpu.region"() ({
      %run_scoped3A = tpu.sem_alloc : memref<!tpu.dma_semaphore, #tpu.memory_space<semaphore_mem>>
      %dma_start3A_392 = tpu.memref_slice %arg2[%mul3A_2] : memref<1024xi32, #tpu.memory_space<hbm>> -> memref<32xi32, #tpu.memory_space<hbm>>
      %dma_start3A_393 = tpu.memref_slice %arg2[%mul3A_2] : memref<1024xi32, #tpu.memory_space<hbm>> -> memref<32xi32, #tpu.memory_space<hbm>>
      tpu.enqueue_dma source(%dma_start3A_393 : memref<32xi32, #tpu.memory_space<hbm>>) target(%arg6 : memref<32xi32, #tpu.memory_space<vmem>>) target_semaphore(%run_scoped3A : memref<!tpu.dma_semaphore, #tpu.memory_space<semaphore_mem>>)
      %dma_wait3A_394 = tpu.memref_slice %arg2[%mul3A_2] : memref<1024xi32, #tpu.memory_space<hbm>> -> memref<32xi32, #tpu.memory_space<hbm>>
      %dma_wait3A_395 = tpu.memref_slice %arg2[%mul3A_2] : memref<1024xi32, #tpu.memory_space<hbm>> -> memref<32xi32, #tpu.memory_space<hbm>>
      tpu.wait_dma2 semaphore(%run_scoped3A : memref<!tpu.dma_semaphore, #tpu.memory_space<semaphore_mem>>) src(%dma_wait3A_395 : memref<32xi32, #tpu.memory_space<hbm>>) dst(%arg6 : memref<32xi32, #tpu.memory_space<vmem>>)
      tpu.yield
    }) : () -> ()
    %iota3A = tpu.iota {dimensions = array<i32: 0>} : vector<16xi32>
    %shift_right_logical3A = arith.constant 3 : i32
    %shift_right_logical3A_3 = vector.broadcast %shift_right_logical3A : i32 to vector<16xi32>
    %shift_right_logical3A_4 = arith.shrui %iota3A, %shift_right_logical3A_3 : vector<16xi32>
    %get3A = arith.constant 0 : index
    %get3A_5 = tpu.vector_load %arg6[%get3A] {strides = array<i32>} : memref<32xi32, #tpu.memory_space<vmem>>, vector<16xi32>,
    %get3A_6 = vector.shape_cast %get3A_5 : vector<16xi32> to vector<16xi32>
    %mul3A_7 = arith.constant 4 : i32
    %mul3A_8 = arith.muli %add3A, %mul3A_7 : i32
    %add3A_9 = arith.constant 0 : i32
    %add3A_10 = arith.addi %mul3A_8, %add3A_9 : i32
    %add3A_11 = vector.broadcast %add3A_10 : i32 to vector<16xi32>
    %add3A_12 = arith.addi %add3A_11, %shift_right_logical3A_4 : vector<16xi32>
    %mul3A_13 = arith.constant 128 : i32
    %mul3A_14 = vector.broadcast %mul3A_13 : i32 to vector<16xi32>
    %mul3A_15 = arith.muli %get3A_6, %mul3A_14 : vector<16xi32>
    %add3A_16 = arith.addi %mul3A_15, %add3A_12 : vector<16xi32>
    %swap3A = arith.constant 0 : index
    %swap3A_17 = tpu.vector_load %arg7[%swap3A] {strides = array<i32>} : memref<32xi32, #tpu.memory_space<vmem>>, vector<16xi32>,
    %swap3A_18 = vector.shape_cast %swap3A_17 : vector<16xi32> to vector<16xi32>
    %swap3A_19 = vector.shape_cast %add3A_16 : vector<16xi32> to vector<16xi32>
    tpu.vector_store %arg7[%swap3A], %swap3A_19 {strides = array<i32>} : memref<32xi32, #tpu.memory_space<vmem>>, vector<16xi32>,
    %get3A_20 = arith.constant 16 : index
    %get3A_21 = tpu.vector_load %arg6[%get3A_20] {strides = array<i32>} : memref<32xi32, #tpu.memory_space<vmem>>, vector<16xi32>,
    %get3A_22 = vector.shape_cast %get3A_21 : vector<16xi32> to vector<16xi32>
    %mul3A_23 = arith.constant 4 : i32
    %mul3A_24 = arith.muli %add3A, %mul3A_23 : i32
    %add3A_25 = arith.constant 2 : i32
    %add3A_26 = arith.addi %mul3A_24, %add3A_25 : i32
    %add3A_27 = vector.broadcast %add3A_26 : i32 to vector<16xi32>
    %add3A_28 = arith.addi %add3A_27, %shift_right_logical3A_4 : vector<16xi32>
    %mul3A_29 = arith.constant 128 : i32
    %mul3A_30 = vector.broadcast %mul3A_29 : i32 to vector<16xi32>
    %mul3A_31 = arith.muli %get3A_22, %mul3A_30 : vector<16xi32>
    %add3A_32 = arith.addi %mul3A_31, %add3A_28 : vector<16xi32>
    %swap3A_33 = arith.constant 16 : index
    %swap3A_34 = tpu.vector_load %arg7[%swap3A_33] {strides = array<i32>} : memref<32xi32, #tpu.memory_space<vmem>>, vector<16xi32>,
    %swap3A_35 = vector.shape_cast %swap3A_34 : vector<16xi32> to vector<16xi32>
    %swap3A_36 = vector.shape_cast %add3A_32 : vector<16xi32> to vector<16xi32>
    tpu.vector_store %arg7[%swap3A_33], %swap3A_36 {strides = array<i32>} : memref<32xi32, #tpu.memory_space<vmem>>, vector<16xi32>,
    %dma_start3A = arith.constant 0 : i32
    %dma_start3A_37 = tpu.memref_slice %arg3[%dma_start3A] : memref<12800000xf32, #tpu.memory_space<hbm>> -> memref<12800000xf32, #tpu.memory_space<hbm>>
    tpu.enqueue_indirect_dma source(%dma_start3A_37 : memref<12800000xf32, #tpu.memory_space<hbm>>) target(%arg8 : memref<32xf32, #tpu.memory_space<vmem>>) offsets(%arg7 : memref<32xi32, #tpu.memory_space<vmem>>) semaphore(%arg11 : memref<!tpu.dma_semaphore, #tpu.memory_space<semaphore_mem>>)
    %dma_wait3A = arith.constant 0 : i32
    %dma_wait3A_38 = tpu.memref_slice %arg3[%dma_wait3A] : memref<12800000xf32, #tpu.memory_space<hbm>> -> memref<12800000xf32, #tpu.memory_space<hbm>>
    tpu.wait_indirect_dma semaphore(%arg11 : memref<!tpu.dma_semaphore, #tpu.memory_space<semaphore_mem>>) src(%dma_wait3A_38 : memref<12800000xf32, #tpu.memory_space<hbm>>) dst(%arg8 : memref<32xf32, #tpu.memory_space<vmem>>)
    %broadcast_in_dim3A = arith.constant 0.000000e+00 : f32
    %broadcast_in_dim3A_39 = vector.broadcast %broadcast_in_dim3A : f32 to vector<16xf32>
    %broadcast_in_dim3A_40 = arith.constant 0.000000e+00 : f32
    %broadcast_in_dim3A_41 = vector.broadcast %broadcast_in_dim3A_40 : f32 to vector<16xf32>
    %get3A_42 = arith.constant 0 : index
    %get3A_43 = tpu.vector_load %arg7[%get3A_42] {strides = array<i32>} : memref<32xi32, #tpu.memory_space<vmem>>, vector<16xi32>,
    %get3A_44 = vector.shape_cast %get3A_43 : vector<16xi32> to vector<16xi32>
    %get3A_45 = arith.constant 0 : index
    %get3A_46 = tpu.vector_load %arg8[%get3A_45] {strides = array<i32>} : memref<32xf32, #tpu.memory_space<vmem>>, vector<16xf32>,
    %get3A_47 = vector.shape_cast %get3A_46 : vector<16xf32> to vector<16xf32>
    %broadcast_in_dim3A_48 = arith.constant 0.000000e+00 : f32
    %broadcast_in_dim3A_49 = vector.broadcast %broadcast_in_dim3A_48 : f32 to vector<16xf32>
    %slice3A = vector.extract_strided_slice %get3A_44 {offsets = [0], sizes = [1], strides = [1]} : vector<16xi32> to vector<1xi32>
    %squeeze3A = vector.extract %slice3A[0] : i32 from vector<1xi32>
    %eq3A = vector.broadcast %squeeze3A : i32 to vector<16xi32>
    %eq3A_50 = arith.cmpi eq, %get3A_44, %eq3A : vector<16xi32>
    %jit3A = arith.constant 1.000000e+00 : f32
    %jit3A_51 = arith.constant 0.000000e+00 : f32
    %broadcast_in_dim3A_52 = vector.broadcast %jit3A : f32 to vector<16xf32>
    %broadcast_in_dim3A_53 = vector.broadcast %jit3A_51 : f32 to vector<16xf32>
    %select_n3A = arith.select %eq3A_50, %broadcast_in_dim3A_52, %broadcast_in_dim3A_53 : vector<16xi1>, vector<16xf32>
    %add3A_54 = arith.addf %broadcast_in_dim3A_49, %select_n3A : vector<16xf32>
    %slice3A_55 = vector.extract_strided_slice %get3A_44 {offsets = [1], sizes = [1], strides = [1]} : vector<16xi32> to vector<1xi32>
    %squeeze3A_56 = vector.extract %slice3A_55[0] : i32 from vector<1xi32>
    %eq3A_57 = vector.broadcast %squeeze3A_56 : i32 to vector<16xi32>
    %eq3A_58 = arith.cmpi eq, %get3A_44, %eq3A_57 : vector<16xi32>
    %jit3A_59 = arith.constant 1.000000e+00 : f32
    %jit3A_60 = arith.constant 0.000000e+00 : f32
    %broadcast_in_dim3A_61 = vector.broadcast %jit3A_59 : f32 to vector<16xf32>
    %broadcast_in_dim3A_62 = vector.broadcast %jit3A_60 : f32 to vector<16xf32>
    %select_n3A_63 = arith.select %eq3A_58, %broadcast_in_dim3A_61, %broadcast_in_dim3A_62 : vector<16xi1>, vector<16xf32>
    %add3A_64 = arith.addf %add3A_54, %select_n3A_63 : vector<16xf32>
    %slice3A_65 = vector.extract_strided_slice %get3A_44 {offsets = [2], sizes = [1], strides = [1]} : vector<16xi32> to vector<1xi32>
    %squeeze3A_66 = vector.extract %slice3A_65[0] : i32 from vector<1xi32>
    %eq3A_67 = vector.broadcast %squeeze3A_66 : i32 to vector<16xi32>
    %eq3A_68 = arith.cmpi eq, %get3A_44, %eq3A_67 : vector<16xi32>
    %jit3A_69 = arith.constant 1.000000e+00 : f32
    %jit3A_70 = arith.constant 0.000000e+00 : f32
    %broadcast_in_dim3A_71 = vector.broadcast %jit3A_69 : f32 to vector<16xf32>
    %broadcast_in_dim3A_72 = vector.broadcast %jit3A_70 : f32 to vector<16xf32>
    %select_n3A_73 = arith.select %eq3A_68, %broadcast_in_dim3A_71, %broadcast_in_dim3A_72 : vector<16xi1>, vector<16xf32>
    %add3A_74 = arith.addf %add3A_64, %select_n3A_73 : vector<16xf32>
    %slice3A_75 = vector.extract_strided_slice %get3A_44 {offsets = [3], sizes = [1], strides = [1]} : vector<16xi32> to vector<1xi32>
    %squeeze3A_76 = vector.extract %slice3A_75[0] : i32 from vector<1xi32>
    %eq3A_77 = vector.broadcast %squeeze3A_76 : i32 to vector<16xi32>
    %eq3A_78 = arith.cmpi eq, %get3A_44, %eq3A_77 : vector<16xi32>
    %jit3A_79 = arith.constant 1.000000e+00 : f32
    %jit3A_80 = arith.constant 0.000000e+00 : f32
    %broadcast_in_dim3A_81 = vector.broadcast %jit3A_79 : f32 to vector<16xf32>
    %broadcast_in_dim3A_82 = vector.broadcast %jit3A_80 : f32 to vector<16xf32>
    %select_n3A_83 = arith.select %eq3A_78, %broadcast_in_dim3A_81, %broadcast_in_dim3A_82 : vector<16xi1>, vector<16xf32>
    %add3A_84 = arith.addf %add3A_74, %select_n3A_83 : vector<16xf32>
    %slice3A_85 = vector.extract_strided_slice %get3A_44 {offsets = [4], sizes = [1], strides = [1]} : vector<16xi32> to vector<1xi32>
    %squeeze3A_86 = vector.extract %slice3A_85[0] : i32 from vector<1xi32>
    %eq3A_87 = vector.broadcast %squeeze3A_86 : i32 to vector<16xi32>
    %eq3A_88 = arith.cmpi eq, %get3A_44, %eq3A_87 : vector<16xi32>
    %jit3A_89 = arith.constant 1.000000e+00 : f32
    %jit3A_90 = arith.constant 0.000000e+00 : f32
    %broadcast_in_dim3A_91 = vector.broadcast %jit3A_89 : f32 to vector<16xf32>
    %broadcast_in_dim3A_92 = vector.broadcast %jit3A_90 : f32 to vector<16xf32>
    %select_n3A_93 = arith.select %eq3A_88, %broadcast_in_dim3A_91, %broadcast_in_dim3A_92 : vector<16xi1>, vector<16xf32>
    %add3A_94 = arith.addf %add3A_84, %select_n3A_93 : vector<16xf32>
    %slice3A_95 = vector.extract_strided_slice %get3A_44 {offsets = [5], sizes = [1], strides = [1]} : vector<16xi32> to vector<1xi32>
    %squeeze3A_96 = vector.extract %slice3A_95[0] : i32 from vector<1xi32>
    %eq3A_97 = vector.broadcast %squeeze3A_96 : i32 to vector<16xi32>
    %eq3A_98 = arith.cmpi eq, %get3A_44, %eq3A_97 : vector<16xi32>
    %jit3A_99 = arith.constant 1.000000e+00 : f32
    %jit3A_100 = arith.constant 0.000000e+00 : f32
    %broadcast_in_dim3A_101 = vector.broadcast %jit3A_99 : f32 to vector<16xf32>
    %broadcast_in_dim3A_102 = vector.broadcast %jit3A_100 : f32 to vector<16xf32>
    %select_n3A_103 = arith.select %eq3A_98, %broadcast_in_dim3A_101, %broadcast_in_dim3A_102 : vector<16xi1>, vector<16xf32>
    %add3A_104 = arith.addf %add3A_94, %select_n3A_103 : vector<16xf32>
    %slice3A_105 = vector.extract_strided_slice %get3A_44 {offsets = [6], sizes = [1], strides = [1]} : vector<16xi32> to vector<1xi32>
    %squeeze3A_106 = vector.extract %slice3A_105[0] : i32 from vector<1xi32>
    %eq3A_107 = vector.broadcast %squeeze3A_106 : i32 to vector<16xi32>
    %eq3A_108 = arith.cmpi eq, %get3A_44, %eq3A_107 : vector<16xi32>
    %jit3A_109 = arith.constant 1.000000e+00 : f32
    %jit3A_110 = arith.constant 0.000000e+00 : f32
    %broadcast_in_dim3A_111 = vector.broadcast %jit3A_109 : f32 to vector<16xf32>
    %broadcast_in_dim3A_112 = vector.broadcast %jit3A_110 : f32 to vector<16xf32>
    %select_n3A_113 = arith.select %eq3A_108, %broadcast_in_dim3A_111, %broadcast_in_dim3A_112 : vector<16xi1>, vector<16xf32>
    %add3A_114 = arith.addf %add3A_104, %select_n3A_113 : vector<16xf32>
    %slice3A_115 = vector.extract_strided_slice %get3A_44 {offsets = [7], sizes = [1], strides = [1]} : vector<16xi32> to vector<1xi32>
    %squeeze3A_116 = vector.extract %slice3A_115[0] : i32 from vector<1xi32>
    %eq3A_117 = vector.broadcast %squeeze3A_116 : i32 to vector<16xi32>
    %eq3A_118 = arith.cmpi eq, %get3A_44, %eq3A_117 : vector<16xi32>
    %jit3A_119 = arith.constant 1.000000e+00 : f32
    %jit3A_120 = arith.constant 0.000000e+00 : f32
    %broadcast_in_dim3A_121 = vector.broadcast %jit3A_119 : f32 to vector<16xf32>
    %broadcast_in_dim3A_122 = vector.broadcast %jit3A_120 : f32 to vector<16xf32>
    %select_n3A_123 = arith.select %eq3A_118, %broadcast_in_dim3A_121, %broadcast_in_dim3A_122 : vector<16xi1>, vector<16xf32>
    %add3A_124 = arith.addf %add3A_114, %select_n3A_123 : vector<16xf32>
    %slice3A_125 = vector.extract_strided_slice %get3A_44 {offsets = [8], sizes = [1], strides = [1]} : vector<16xi32> to vector<1xi32>
    %squeeze3A_126 = vector.extract %slice3A_125[0] : i32 from vector<1xi32>
    %eq3A_127 = vector.broadcast %squeeze3A_126 : i32 to vector<16xi32>
    %eq3A_128 = arith.cmpi eq, %get3A_44, %eq3A_127 : vector<16xi32>
    %jit3A_129 = arith.constant 1.000000e+00 : f32
    %jit3A_130 = arith.constant 0.000000e+00 : f32
    %broadcast_in_dim3A_131 = vector.broadcast %jit3A_129 : f32 to vector<16xf32>
    %broadcast_in_dim3A_132 = vector.broadcast %jit3A_130 : f32 to vector<16xf32>
    %select_n3A_133 = arith.select %eq3A_128, %broadcast_in_dim3A_131, %broadcast_in_dim3A_132 : vector<16xi1>, vector<16xf32>
    %add3A_134 = arith.addf %add3A_124, %select_n3A_133 : vector<16xf32>
    %slice3A_135 = vector.extract_strided_slice %get3A_44 {offsets = [9], sizes = [1], strides = [1]} : vector<16xi32> to vector<1xi32>
    %squeeze3A_136 = vector.extract %slice3A_135[0] : i32 from vector<1xi32>
    %eq3A_137 = vector.broadcast %squeeze3A_136 : i32 to vector<16xi32>
    %eq3A_138 = arith.cmpi eq, %get3A_44, %eq3A_137 : vector<16xi32>
    %jit3A_139 = arith.constant 1.000000e+00 : f32
    %jit3A_140 = arith.constant 0.000000e+00 : f32
    %broadcast_in_dim3A_141 = vector.broadcast %jit3A_139 : f32 to vector<16xf32>
    %broadcast_in_dim3A_142 = vector.broadcast %jit3A_140 : f32 to vector<16xf32>
    %select_n3A_143 = arith.select %eq3A_138, %broadcast_in_dim3A_141, %broadcast_in_dim3A_142 : vector<16xi1>, vector<16xf32>
    %add3A_144 = arith.addf %add3A_134, %select_n3A_143 : vector<16xf32>
    %slice3A_145 = vector.extract_strided_slice %get3A_44 {offsets = [10], sizes = [1], strides = [1]} : vector<16xi32> to vector<1xi32>
    %squeeze3A_146 = vector.extract %slice3A_145[0] : i32 from vector<1xi32>
    %eq3A_147 = vector.broadcast %squeeze3A_146 : i32 to vector<16xi32>
    %eq3A_148 = arith.cmpi eq, %get3A_44, %eq3A_147 : vector<16xi32>
    %jit3A_149 = arith.constant 1.000000e+00 : f32
    %jit3A_150 = arith.constant 0.000000e+00 : f32
    %broadcast_in_dim3A_151 = vector.broadcast %jit3A_149 : f32 to vector<16xf32>
    %broadcast_in_dim3A_152 = vector.broadcast %jit3A_150 : f32 to vector<16xf32>
    %select_n3A_153 = arith.select %eq3A_148, %broadcast_in_dim3A_151, %broadcast_in_dim3A_152 : vector<16xi1>, vector<16xf32>
    %add3A_154 = arith.addf %add3A_144, %select_n3A_153 : vector<16xf32>
    %slice3A_155 = vector.extract_strided_slice %get3A_44 {offsets = [11], sizes = [1], strides = [1]} : vector<16xi32> to vector<1xi32>
    %squeeze3A_156 = vector.extract %slice3A_155[0] : i32 from vector<1xi32>
    %eq3A_157 = vector.broadcast %squeeze3A_156 : i32 to vector<16xi32>
    %eq3A_158 = arith.cmpi eq, %get3A_44, %eq3A_157 : vector<16xi32>
    %jit3A_159 = arith.constant 1.000000e+00 : f32
    %jit3A_160 = arith.constant 0.000000e+00 : f32
    %broadcast_in_dim3A_161 = vector.broadcast %jit3A_159 : f32 to vector<16xf32>
    %broadcast_in_dim3A_162 = vector.broadcast %jit3A_160 : f32 to vector<16xf32>
    %select_n3A_163 = arith.select %eq3A_158, %broadcast_in_dim3A_161, %broadcast_in_dim3A_162 : vector<16xi1>, vector<16xf32>
    %add3A_164 = arith.addf %add3A_154, %select_n3A_163 : vector<16xf32>
    %slice3A_165 = vector.extract_strided_slice %get3A_44 {offsets = [12], sizes = [1], strides = [1]} : vector<16xi32> to vector<1xi32>
    %squeeze3A_166 = vector.extract %slice3A_165[0] : i32 from vector<1xi32>
    %eq3A_167 = vector.broadcast %squeeze3A_166 : i32 to vector<16xi32>
    %eq3A_168 = arith.cmpi eq, %get3A_44, %eq3A_167 : vector<16xi32>
    %jit3A_169 = arith.constant 1.000000e+00 : f32
    %jit3A_170 = arith.constant 0.000000e+00 : f32
    %broadcast_in_dim3A_171 = vector.broadcast %jit3A_169 : f32 to vector<16xf32>
    %broadcast_in_dim3A_172 = vector.broadcast %jit3A_170 : f32 to vector<16xf32>
    %select_n3A_173 = arith.select %eq3A_168, %broadcast_in_dim3A_171, %broadcast_in_dim3A_172 : vector<16xi1>, vector<16xf32>
    %add3A_174 = arith.addf %add3A_164, %select_n3A_173 : vector<16xf32>
    %slice3A_175 = vector.extract_strided_slice %get3A_44 {offsets = [13], sizes = [1], strides = [1]} : vector<16xi32> to vector<1xi32>
    %squeeze3A_176 = vector.extract %slice3A_175[0] : i32 from vector<1xi32>
    %eq3A_177 = vector.broadcast %squeeze3A_176 : i32 to vector<16xi32>
    %eq3A_178 = arith.cmpi eq, %get3A_44, %eq3A_177 : vector<16xi32>
    %jit3A_179 = arith.constant 1.000000e+00 : f32
    %jit3A_180 = arith.constant 0.000000e+00 : f32
    %broadcast_in_dim3A_181 = vector.broadcast %jit3A_179 : f32 to vector<16xf32>
    %broadcast_in_dim3A_182 = vector.broadcast %jit3A_180 : f32 to vector<16xf32>
    %select_n3A_183 = arith.select %eq3A_178, %broadcast_in_dim3A_181, %broadcast_in_dim3A_182 : vector<16xi1>, vector<16xf32>
    %add3A_184 = arith.addf %add3A_174, %select_n3A_183 : vector<16xf32>
    %slice3A_185 = vector.extract_strided_slice %get3A_44 {offsets = [14], sizes = [1], strides = [1]} : vector<16xi32> to vector<1xi32>
    %squeeze3A_186 = vector.extract %slice3A_185[0] : i32 from vector<1xi32>
    %eq3A_187 = vector.broadcast %squeeze3A_186 : i32 to vector<16xi32>
    %eq3A_188 = arith.cmpi eq, %get3A_44, %eq3A_187 : vector<16xi32>
    %jit3A_189 = arith.constant 1.000000e+00 : f32
    %jit3A_190 = arith.constant 0.000000e+00 : f32
    %broadcast_in_dim3A_191 = vector.broadcast %jit3A_189 : f32 to vector<16xf32>
    %broadcast_in_dim3A_192 = vector.broadcast %jit3A_190 : f32 to vector<16xf32>
    %select_n3A_193 = arith.select %eq3A_188, %broadcast_in_dim3A_191, %broadcast_in_dim3A_192 : vector<16xi1>, vector<16xf32>
    %add3A_194 = arith.addf %add3A_184, %select_n3A_193 : vector<16xf32>
    %slice3A_195 = vector.extract_strided_slice %get3A_44 {offsets = [15], sizes = [1], strides = [1]} : vector<16xi32> to vector<1xi32>
    %squeeze3A_196 = vector.extract %slice3A_195[0] : i32 from vector<1xi32>
    %eq3A_197 = vector.broadcast %squeeze3A_196 : i32 to vector<16xi32>
    %eq3A_198 = arith.cmpi eq, %get3A_44, %eq3A_197 : vector<16xi32>
    %jit3A_199 = arith.constant 1.000000e+00 : f32
    %jit3A_200 = arith.constant 0.000000e+00 : f32
    %broadcast_in_dim3A_201 = vector.broadcast %jit3A_199 : f32 to vector<16xf32>
    %broadcast_in_dim3A_202 = vector.broadcast %jit3A_200 : f32 to vector<16xf32>
    %select_n3A_203 = arith.select %eq3A_198, %broadcast_in_dim3A_201, %broadcast_in_dim3A_202 : vector<16xi1>, vector<16xf32>
    %add3A_204 = arith.addf %add3A_194, %select_n3A_203 : vector<16xf32>
    %div3A = arith.constant 1.000000e+00 : f32
    %div3A_205 = vector.broadcast %div3A : f32 to vector<16xf32>
    %div3A_206 = arith.divf %div3A_205, %add3A_204 : vector<16xf32>
    %mul3A_207 = arith.mulf %get3A_47, %div3A_206 : vector<16xf32>
    %add3A_208 = arith.addf %broadcast_in_dim3A_39, %mul3A_207 : vector<16xf32>
    %add3A_209 = arith.addf %broadcast_in_dim3A_41, %div3A_206 : vector<16xf32>
    %get3A_210 = arith.constant 16 : index
    %get3A_211 = tpu.vector_load %arg7[%get3A_210] {strides = array<i32>} : memref<32xi32, #tpu.memory_space<vmem>>, vector<16xi32>,
    %get3A_212 = vector.shape_cast %get3A_211 : vector<16xi32> to vector<16xi32>
    %get3A_213 = arith.constant 16 : index
    %get3A_214 = tpu.vector_load %arg8[%get3A_213] {strides = array<i32>} : memref<32xf32, #tpu.memory_space<vmem>>, vector<16xf32>,
    %get3A_215 = vector.shape_cast %get3A_214 : vector<16xf32> to vector<16xf32>
    %broadcast_in_dim3A_216 = arith.constant 0.000000e+00 : f32
    %broadcast_in_dim3A_217 = vector.broadcast %broadcast_in_dim3A_216 : f32 to vector<16xf32>
    %slice3A_218 = vector.extract_strided_slice %get3A_212 {offsets = [0], sizes = [1], strides = [1]} : vector<16xi32> to vector<1xi32>
    %squeeze3A_219 = vector.extract %slice3A_218[0] : i32 from vector<1xi32>
    %eq3A_220 = vector.broadcast %squeeze3A_219 : i32 to vector<16xi32>
    %eq3A_221 = arith.cmpi eq, %get3A_212, %eq3A_220 : vector<16xi32>
    %jit3A_222 = arith.constant 1.000000e+00 : f32
    %jit3A_223 = arith.constant 0.000000e+00 : f32
    %broadcast_in_dim3A_224 = vector.broadcast %jit3A_222 : f32 to vector<16xf32>
    %broadcast_in_dim3A_225 = vector.broadcast %jit3A_223 : f32 to vector<16xf32>
    %select_n3A_226 = arith.select %eq3A_221, %broadcast_in_dim3A_224, %broadcast_in_dim3A_225 : vector<16xi1>, vector<16xf32>
    %add3A_227 = arith.addf %broadcast_in_dim3A_217, %select_n3A_226 : vector<16xf32>
    %slice3A_228 = vector.extract_strided_slice %get3A_212 {offsets = [1], sizes = [1], strides = [1]} : vector<16xi32> to vector<1xi32>
    %squeeze3A_229 = vector.extract %slice3A_228[0] : i32 from vector<1xi32>
    %eq3A_230 = vector.broadcast %squeeze3A_229 : i32 to vector<16xi32>
    %eq3A_231 = arith.cmpi eq, %get3A_212, %eq3A_230 : vector<16xi32>
    %jit3A_232 = arith.constant 1.000000e+00 : f32
    %jit3A_233 = arith.constant 0.000000e+00 : f32
    %broadcast_in_dim3A_234 = vector.broadcast %jit3A_232 : f32 to vector<16xf32>
    %broadcast_in_dim3A_235 = vector.broadcast %jit3A_233 : f32 to vector<16xf32>
    %select_n3A_236 = arith.select %eq3A_231, %broadcast_in_dim3A_234, %broadcast_in_dim3A_235 : vector<16xi1>, vector<16xf32>
    %add3A_237 = arith.addf %add3A_227, %select_n3A_236 : vector<16xf32>
    %slice3A_238 = vector.extract_strided_slice %get3A_212 {offsets = [2], sizes = [1], strides = [1]} : vector<16xi32> to vector<1xi32>
    %squeeze3A_239 = vector.extract %slice3A_238[0] : i32 from vector<1xi32>
    %eq3A_240 = vector.broadcast %squeeze3A_239 : i32 to vector<16xi32>
    %eq3A_241 = arith.cmpi eq, %get3A_212, %eq3A_240 : vector<16xi32>
    %jit3A_242 = arith.constant 1.000000e+00 : f32
    %jit3A_243 = arith.constant 0.000000e+00 : f32
    %broadcast_in_dim3A_244 = vector.broadcast %jit3A_242 : f32 to vector<16xf32>
    %broadcast_in_dim3A_245 = vector.broadcast %jit3A_243 : f32 to vector<16xf32>
    %select_n3A_246 = arith.select %eq3A_241, %broadcast_in_dim3A_244, %broadcast_in_dim3A_245 : vector<16xi1>, vector<16xf32>
    %add3A_247 = arith.addf %add3A_237, %select_n3A_246 : vector<16xf32>
    %slice3A_248 = vector.extract_strided_slice %get3A_212 {offsets = [3], sizes = [1], strides = [1]} : vector<16xi32> to vector<1xi32>
    %squeeze3A_249 = vector.extract %slice3A_248[0] : i32 from vector<1xi32>
    %eq3A_250 = vector.broadcast %squeeze3A_249 : i32 to vector<16xi32>
    %eq3A_251 = arith.cmpi eq, %get3A_212, %eq3A_250 : vector<16xi32>
    %jit3A_252 = arith.constant 1.000000e+00 : f32
    %jit3A_253 = arith.constant 0.000000e+00 : f32
    %broadcast_in_dim3A_254 = vector.broadcast %jit3A_252 : f32 to vector<16xf32>
    %broadcast_in_dim3A_255 = vector.broadcast %jit3A_253 : f32 to vector<16xf32>
    %select_n3A_256 = arith.select %eq3A_251, %broadcast_in_dim3A_254, %broadcast_in_dim3A_255 : vector<16xi1>, vector<16xf32>
    %add3A_257 = arith.addf %add3A_247, %select_n3A_256 : vector<16xf32>
    %slice3A_258 = vector.extract_strided_slice %get3A_212 {offsets = [4], sizes = [1], strides = [1]} : vector<16xi32> to vector<1xi32>
    %squeeze3A_259 = vector.extract %slice3A_258[0] : i32 from vector<1xi32>
    %eq3A_260 = vector.broadcast %squeeze3A_259 : i32 to vector<16xi32>
    %eq3A_261 = arith.cmpi eq, %get3A_212, %eq3A_260 : vector<16xi32>
    %jit3A_262 = arith.constant 1.000000e+00 : f32
    %jit3A_263 = arith.constant 0.000000e+00 : f32
    %broadcast_in_dim3A_264 = vector.broadcast %jit3A_262 : f32 to vector<16xf32>
    %broadcast_in_dim3A_265 = vector.broadcast %jit3A_263 : f32 to vector<16xf32>
    %select_n3A_266 = arith.select %eq3A_261, %broadcast_in_dim3A_264, %broadcast_in_dim3A_265 : vector<16xi1>, vector<16xf32>
    %add3A_267 = arith.addf %add3A_257, %select_n3A_266 : vector<16xf32>
    %slice3A_268 = vector.extract_strided_slice %get3A_212 {offsets = [5], sizes = [1], strides = [1]} : vector<16xi32> to vector<1xi32>
    %squeeze3A_269 = vector.extract %slice3A_268[0] : i32 from vector<1xi32>
    %eq3A_270 = vector.broadcast %squeeze3A_269 : i32 to vector<16xi32>
    %eq3A_271 = arith.cmpi eq, %get3A_212, %eq3A_270 : vector<16xi32>
    %jit3A_272 = arith.constant 1.000000e+00 : f32
    %jit3A_273 = arith.constant 0.000000e+00 : f32
    %broadcast_in_dim3A_274 = vector.broadcast %jit3A_272 : f32 to vector<16xf32>
    %broadcast_in_dim3A_275 = vector.broadcast %jit3A_273 : f32 to vector<16xf32>
    %select_n3A_276 = arith.select %eq3A_271, %broadcast_in_dim3A_274, %broadcast_in_dim3A_275 : vector<16xi1>, vector<16xf32>
    %add3A_277 = arith.addf %add3A_267, %select_n3A_276 : vector<16xf32>
    %slice3A_278 = vector.extract_strided_slice %get3A_212 {offsets = [6], sizes = [1], strides = [1]} : vector<16xi32> to vector<1xi32>
    %squeeze3A_279 = vector.extract %slice3A_278[0] : i32 from vector<1xi32>
    %eq3A_280 = vector.broadcast %squeeze3A_279 : i32 to vector<16xi32>
    %eq3A_281 = arith.cmpi eq, %get3A_212, %eq3A_280 : vector<16xi32>
    %jit3A_282 = arith.constant 1.000000e+00 : f32
    %jit3A_283 = arith.constant 0.000000e+00 : f32
    %broadcast_in_dim3A_284 = vector.broadcast %jit3A_282 : f32 to vector<16xf32>
    %broadcast_in_dim3A_285 = vector.broadcast %jit3A_283 : f32 to vector<16xf32>
    %select_n3A_286 = arith.select %eq3A_281, %broadcast_in_dim3A_284, %broadcast_in_dim3A_285 : vector<16xi1>, vector<16xf32>
    %add3A_287 = arith.addf %add3A_277, %select_n3A_286 : vector<16xf32>
    %slice3A_288 = vector.extract_strided_slice %get3A_212 {offsets = [7], sizes = [1], strides = [1]} : vector<16xi32> to vector<1xi32>
    %squeeze3A_289 = vector.extract %slice3A_288[0] : i32 from vector<1xi32>
    %eq3A_290 = vector.broadcast %squeeze3A_289 : i32 to vector<16xi32>
    %eq3A_291 = arith.cmpi eq, %get3A_212, %eq3A_290 : vector<16xi32>
    %jit3A_292 = arith.constant 1.000000e+00 : f32
    %jit3A_293 = arith.constant 0.000000e+00 : f32
    %broadcast_in_dim3A_294 = vector.broadcast %jit3A_292 : f32 to vector<16xf32>
    %broadcast_in_dim3A_295 = vector.broadcast %jit3A_293 : f32 to vector<16xf32>
    %select_n3A_296 = arith.select %eq3A_291, %broadcast_in_dim3A_294, %broadcast_in_dim3A_295 : vector<16xi1>, vector<16xf32>
    %add3A_297 = arith.addf %add3A_287, %select_n3A_296 : vector<16xf32>
    %slice3A_298 = vector.extract_strided_slice %get3A_212 {offsets = [8], sizes = [1], strides = [1]} : vector<16xi32> to vector<1xi32>
    %squeeze3A_299 = vector.extract %slice3A_298[0] : i32 from vector<1xi32>
    %eq3A_300 = vector.broadcast %squeeze3A_299 : i32 to vector<16xi32>
    %eq3A_301 = arith.cmpi eq, %get3A_212, %eq3A_300 : vector<16xi32>
    %jit3A_302 = arith.constant 1.000000e+00 : f32
    %jit3A_303 = arith.constant 0.000000e+00 : f32
    %broadcast_in_dim3A_304 = vector.broadcast %jit3A_302 : f32 to vector<16xf32>
    %broadcast_in_dim3A_305 = vector.broadcast %jit3A_303 : f32 to vector<16xf32>
    %select_n3A_306 = arith.select %eq3A_301, %broadcast_in_dim3A_304, %broadcast_in_dim3A_305 : vector<16xi1>, vector<16xf32>
    %add3A_307 = arith.addf %add3A_297, %select_n3A_306 : vector<16xf32>
    %slice3A_308 = vector.extract_strided_slice %get3A_212 {offsets = [9], sizes = [1], strides = [1]} : vector<16xi32> to vector<1xi32>
    %squeeze3A_309 = vector.extract %slice3A_308[0] : i32 from vector<1xi32>
    %eq3A_310 = vector.broadcast %squeeze3A_309 : i32 to vector<16xi32>
    %eq3A_311 = arith.cmpi eq, %get3A_212, %eq3A_310 : vector<16xi32>
    %jit3A_312 = arith.constant 1.000000e+00 : f32
    %jit3A_313 = arith.constant 0.000000e+00 : f32
    %broadcast_in_dim3A_314 = vector.broadcast %jit3A_312 : f32 to vector<16xf32>
    %broadcast_in_dim3A_315 = vector.broadcast %jit3A_313 : f32 to vector<16xf32>
    %select_n3A_316 = arith.select %eq3A_311, %broadcast_in_dim3A_314, %broadcast_in_dim3A_315 : vector<16xi1>, vector<16xf32>
    %add3A_317 = arith.addf %add3A_307, %select_n3A_316 : vector<16xf32>
    %slice3A_318 = vector.extract_strided_slice %get3A_212 {offsets = [10], sizes = [1], strides = [1]} : vector<16xi32> to vector<1xi32>
    %squeeze3A_319 = vector.extract %slice3A_318[0] : i32 from vector<1xi32>
    %eq3A_320 = vector.broadcast %squeeze3A_319 : i32 to vector<16xi32>
    %eq3A_321 = arith.cmpi eq, %get3A_212, %eq3A_320 : vector<16xi32>
    %jit3A_322 = arith.constant 1.000000e+00 : f32
    %jit3A_323 = arith.constant 0.000000e+00 : f32
    %broadcast_in_dim3A_324 = vector.broadcast %jit3A_322 : f32 to vector<16xf32>
    %broadcast_in_dim3A_325 = vector.broadcast %jit3A_323 : f32 to vector<16xf32>
    %select_n3A_326 = arith.select %eq3A_321, %broadcast_in_dim3A_324, %broadcast_in_dim3A_325 : vector<16xi1>, vector<16xf32>
    %add3A_327 = arith.addf %add3A_317, %select_n3A_326 : vector<16xf32>
    %slice3A_328 = vector.extract_strided_slice %get3A_212 {offsets = [11], sizes = [1], strides = [1]} : vector<16xi32> to vector<1xi32>
    %squeeze3A_329 = vector.extract %slice3A_328[0] : i32 from vector<1xi32>
    %eq3A_330 = vector.broadcast %squeeze3A_329 : i32 to vector<16xi32>
    %eq3A_331 = arith.cmpi eq, %get3A_212, %eq3A_330 : vector<16xi32>
    %jit3A_332 = arith.constant 1.000000e+00 : f32
    %jit3A_333 = arith.constant 0.000000e+00 : f32
    %broadcast_in_dim3A_334 = vector.broadcast %jit3A_332 : f32 to vector<16xf32>
    %broadcast_in_dim3A_335 = vector.broadcast %jit3A_333 : f32 to vector<16xf32>
    %select_n3A_336 = arith.select %eq3A_331, %broadcast_in_dim3A_334, %broadcast_in_dim3A_335 : vector<16xi1>, vector<16xf32>
    %add3A_337 = arith.addf %add3A_327, %select_n3A_336 : vector<16xf32>
    %slice3A_338 = vector.extract_strided_slice %get3A_212 {offsets = [12], sizes = [1], strides = [1]} : vector<16xi32> to vector<1xi32>
    %squeeze3A_339 = vector.extract %slice3A_338[0] : i32 from vector<1xi32>
    %eq3A_340 = vector.broadcast %squeeze3A_339 : i32 to vector<16xi32>
    %eq3A_341 = arith.cmpi eq, %get3A_212, %eq3A_340 : vector<16xi32>
    %jit3A_342 = arith.constant 1.000000e+00 : f32
    %jit3A_343 = arith.constant 0.000000e+00 : f32
    %broadcast_in_dim3A_344 = vector.broadcast %jit3A_342 : f32 to vector<16xf32>
    %broadcast_in_dim3A_345 = vector.broadcast %jit3A_343 : f32 to vector<16xf32>
    %select_n3A_346 = arith.select %eq3A_341, %broadcast_in_dim3A_344, %broadcast_in_dim3A_345 : vector<16xi1>, vector<16xf32>
    %add3A_347 = arith.addf %add3A_337, %select_n3A_346 : vector<16xf32>
    %slice3A_348 = vector.extract_strided_slice %get3A_212 {offsets = [13], sizes = [1], strides = [1]} : vector<16xi32> to vector<1xi32>
    %squeeze3A_349 = vector.extract %slice3A_348[0] : i32 from vector<1xi32>
    %eq3A_350 = vector.broadcast %squeeze3A_349 : i32 to vector<16xi32>
    %eq3A_351 = arith.cmpi eq, %get3A_212, %eq3A_350 : vector<16xi32>
    %jit3A_352 = arith.constant 1.000000e+00 : f32
    %jit3A_353 = arith.constant 0.000000e+00 : f32
    %broadcast_in_dim3A_354 = vector.broadcast %jit3A_352 : f32 to vector<16xf32>
    %broadcast_in_dim3A_355 = vector.broadcast %jit3A_353 : f32 to vector<16xf32>
    %select_n3A_356 = arith.select %eq3A_351, %broadcast_in_dim3A_354, %broadcast_in_dim3A_355 : vector<16xi1>, vector<16xf32>
    %add3A_357 = arith.addf %add3A_347, %select_n3A_356 : vector<16xf32>
    %slice3A_358 = vector.extract_strided_slice %get3A_212 {offsets = [14], sizes = [1], strides = [1]} : vector<16xi32> to vector<1xi32>
    %squeeze3A_359 = vector.extract %slice3A_358[0] : i32 from vector<1xi32>
    %eq3A_360 = vector.broadcast %squeeze3A_359 : i32 to vector<16xi32>
    %eq3A_361 = arith.cmpi eq, %get3A_212, %eq3A_360 : vector<16xi32>
    %jit3A_362 = arith.constant 1.000000e+00 : f32
    %jit3A_363 = arith.constant 0.000000e+00 : f32
    %broadcast_in_dim3A_364 = vector.broadcast %jit3A_362 : f32 to vector<16xf32>
    %broadcast_in_dim3A_365 = vector.broadcast %jit3A_363 : f32 to vector<16xf32>
    %select_n3A_366 = arith.select %eq3A_361, %broadcast_in_dim3A_364, %broadcast_in_dim3A_365 : vector<16xi1>, vector<16xf32>
    %add3A_367 = arith.addf %add3A_357, %select_n3A_366 : vector<16xf32>
    %slice3A_368 = vector.extract_strided_slice %get3A_212 {offsets = [15], sizes = [1], strides = [1]} : vector<16xi32> to vector<1xi32>
    %squeeze3A_369 = vector.extract %slice3A_368[0] : i32 from vector<1xi32>
    %eq3A_370 = vector.broadcast %squeeze3A_369 : i32 to vector<16xi32>
    %eq3A_371 = arith.cmpi eq, %get3A_212, %eq3A_370 : vector<16xi32>
    %jit3A_372 = arith.constant 1.000000e+00 : f32
    %jit3A_373 = arith.constant 0.000000e+00 : f32
    %broadcast_in_dim3A_374 = vector.broadcast %jit3A_372 : f32 to vector<16xf32>
    %broadcast_in_dim3A_375 = vector.broadcast %jit3A_373 : f32 to vector<16xf32>
    %select_n3A_376 = arith.select %eq3A_371, %broadcast_in_dim3A_374, %broadcast_in_dim3A_375 : vector<16xi1>, vector<16xf32>
    %add3A_377 = arith.addf %add3A_367, %select_n3A_376 : vector<16xf32>
    %div3A_378 = arith.constant 1.000000e+00 : f32
    %div3A_379 = vector.broadcast %div3A_378 : f32 to vector<16xf32>
    %div3A_380 = arith.divf %div3A_379, %add3A_377 : vector<16xf32>
    %mul3A_381 = arith.mulf %get3A_215, %div3A_380 : vector<16xf32>
    %add3A_382 = arith.addf %add3A_208, %mul3A_381 : vector<16xf32>
    %add3A_383 = arith.addf %add3A_209, %div3A_380 : vector<16xf32>
    %swap3A_384 = arith.constant 0 : index
    %swap3A_385 = tpu.vector_load %arg9[%swap3A_384] {strides = array<i32>} : memref<16xf32, #tpu.memory_space<vmem>>, vector<16xf32>,
    %swap3A_386 = vector.shape_cast %swap3A_385 : vector<16xf32> to vector<16xf32>
    %swap3A_387 = vector.shape_cast %add3A_382 : vector<16xf32> to vector<16xf32>
    tpu.vector_store %arg9[%swap3A_384], %swap3A_387 {strides = array<i32>} : memref<16xf32, #tpu.memory_space<vmem>>, vector<16xf32>,
    %swap3A_388 = arith.constant 0 : index
    %swap3A_389 = tpu.vector_load %arg10[%swap3A_388] {strides = array<i32>} : memref<16xf32, #tpu.memory_space<vmem>>, vector<16xf32>,
    %swap3A_390 = vector.shape_cast %swap3A_389 : vector<16xf32> to vector<16xf32>
    %swap3A_391 = vector.shape_cast %add3A_383 : vector<16xf32> to vector<16xf32>
    tpu.vector_store %arg10[%swap3A_388], %swap3A_391 {strides = array<i32>} : memref<16xf32, #tpu.memory_space<vmem>>, vector<16xf32>,
    "tpu.region"() ({
      %run_scoped3A = tpu.sem_alloc : memref<!tpu.dma_semaphore, #tpu.memory_space<semaphore_mem>>
      %dma_start3A_392 = arith.constant 0 : i32
      %dma_start3A_393 = tpu.memref_slice %arg4[%add3A, %dma_start3A_392] : memref<32x16xf32, #tpu.memory_space<hbm>> -> memref<1x16xf32, #tpu.memory_space<hbm>>
      %dma_start3A_394 = tpu.memref_squeeze %dma_start3A_393 : memref<1x16xf32, #tpu.memory_space<hbm>> -> memref<16xf32, #tpu.memory_space<hbm>>
      %dma_start3A_395 = arith.constant 0 : i32
      %dma_start3A_396 = tpu.memref_slice %arg4[%add3A, %dma_start3A_395] : memref<32x16xf32, #tpu.memory_space<hbm>> -> memref<1x16xf32, #tpu.memory_space<hbm>>
      %dma_start3A_397 = tpu.memref_squeeze %dma_start3A_396 : memref<1x16xf32, #tpu.memory_space<hbm>> -> memref<16xf32, #tpu.memory_space<hbm>>
      tpu.enqueue_dma source(%arg9 : memref<16xf32, #tpu.memory_space<vmem>>) target(%dma_start3A_397 : memref<16xf32, #tpu.memory_space<hbm>>) target_semaphore(%run_scoped3A : memref<!tpu.dma_semaphore, #tpu.memory_space<semaphore_mem>>)
      %dma_wait3A_398 = arith.constant 0 : i32
      %dma_wait3A_399 = tpu.memref_slice %arg4[%add3A, %dma_wait3A_398] : memref<32x16xf32, #tpu.memory_space<hbm>> -> memref<1x16xf32, #tpu.memory_space<hbm>>
      %dma_wait3A_400 = tpu.memref_squeeze %dma_wait3A_399 : memref<1x16xf32, #tpu.memory_space<hbm>> -> memref<16xf32, #tpu.memory_space<hbm>>
      %dma_wait3A_401 = arith.constant 0 : i32
      %dma_wait3A_402 = tpu.memref_slice %arg4[%add3A, %dma_wait3A_401] : memref<32x16xf32, #tpu.memory_space<hbm>> -> memref<1x16xf32, #tpu.memory_space<hbm>>
      %dma_wait3A_403 = tpu.memref_squeeze %dma_wait3A_402 : memref<1x16xf32, #tpu.memory_space<hbm>> -> memref<16xf32, #tpu.memory_space<hbm>>
      tpu.wait_dma2 semaphore(%run_scoped3A : memref<!tpu.dma_semaphore, #tpu.memory_space<semaphore_mem>>) src(%arg9 : memref<16xf32, #tpu.memory_space<vmem>>) dst(%dma_wait3A_403 : memref<16xf32, #tpu.memory_space<hbm>>)
      tpu.yield
    }) : () -> ()
    "tpu.region"() ({
      %run_scoped3A = tpu.sem_alloc : memref<!tpu.dma_semaphore, #tpu.memory_space<semaphore_mem>>
      %dma_start3A_392 = arith.constant 0 : i32
      %dma_start3A_393 = tpu.memref_slice %arg5[%add3A, %dma_start3A_392] : memref<32x16xf32, #tpu.memory_space<hbm>> -> memref<1x16xf32, #tpu.memory_space<hbm>>
      %dma_start3A_394 = tpu.memref_squeeze %dma_start3A_393 : memref<1x16xf32, #tpu.memory_space<hbm>> -> memref<16xf32, #tpu.memory_space<hbm>>
      %dma_start3A_395 = arith.constant 0 : i32
      %dma_start3A_396 = tpu.memref_slice %arg5[%add3A, %dma_start3A_395] : memref<32x16xf32, #tpu.memory_space<hbm>> -> memref<1x16xf32, #tpu.memory_space<hbm>>
      %dma_start3A_397 = tpu.memref_squeeze %dma_start3A_396 : memref<1x16xf32, #tpu.memory_space<hbm>> -> memref<16xf32, #tpu.memory_space<hbm>>
      tpu.enqueue_dma source(%arg10 : memref<16xf32, #tpu.memory_space<vmem>>) target(%dma_start3A_397 : memref<16xf32, #tpu.memory_space<hbm>>) target_semaphore(%run_scoped3A : memref<!tpu.dma_semaphore, #tpu.memory_space<semaphore_mem>>)
      %dma_wait3A_398 = arith.constant 0 : i32
      %dma_wait3A_399 = tpu.memref_slice %arg5[%add3A, %dma_wait3A_398] : memref<32x16xf32, #tpu.memory_space<hbm>> -> memref<1x16xf32, #tpu.memory_space<hbm>>
      %dma_wait3A_400 = tpu.memref_squeeze %dma_wait3A_399 : memref<1x16xf32, #tpu.memory_space<hbm>> -> memref<16xf32, #tpu.memory_space<hbm>>
      %dma_wait3A_401 = arith.constant 0 : i32
      %dma_wait3A_402 = tpu.memref_slice %arg5[%add3A, %dma_wait3A_401] : memref<32x16xf32, #tpu.memory_space<hbm>> -> memref<1x16xf32, #tpu.memory_space<hbm>>
      %dma_wait3A_403 = tpu.memref_squeeze %dma_wait3A_402 : memref<1x16xf32, #tpu.memory_space<hbm>> -> memref<16xf32, #tpu.memory_space<hbm>>
      tpu.wait_dma2 semaphore(%run_scoped3A : memref<!tpu.dma_semaphore, #tpu.memory_space<semaphore_mem>>) src(%arg10 : memref<16xf32, #tpu.memory_space<vmem>>) dst(%dma_wait3A_403 : memref<16xf32, #tpu.memory_space<hbm>>)
      tpu.yield
    }) : () -> ()
    return
  }
}

module attributes {stable_mosaic.version = 14 : i64} {
  func.func @body(%arg0: memref<100000x128xf32, #tpu.memory_space<any>>, %arg1: memref<32x16xf32, #tpu.memory_space<vmem>>, %arg2: memref<32x16xf32, #tpu.memory_space<vmem>>, %arg3: memref<1x1xf32, #tpu.memory_space<smem>>, %arg4: memref<5000x128xf32, #tpu.memory_space<vmem>>, %arg5: memref<5000x128xf32, #tpu.memory_space<vmem>>, %arg6: memref<5000x128xf32, #tpu.memory_space<vmem>>, %arg7: memref<5000x128xf32, #tpu.memory_space<vmem>>, %arg8: memref<!tpu.dma_semaphore, #tpu.memory_space<semaphore_mem>>, %arg9: memref<!tpu.dma_semaphore, #tpu.memory_space<semaphore_mem>>, %arg10: memref<!tpu.dma_semaphore, #tpu.memory_space<semaphore_mem>>, %arg11: memref<!tpu.dma_semaphore, #tpu.memory_space<semaphore_mem>>) attributes {dimension_semantics = [], scalar_prefetch = 0 : i64, scratch_operands = 8 : i64, tpu.core_type = #tpu.core_type<tc>} {
    %dma_start3A = arith.constant 0 : i32
    %dma_start3A_0 = arith.constant 0 : i32
    %dma_start3A_1 = tpu.memref_slice %arg0[%dma_start3A, %dma_start3A_0] : memref<100000x128xf32, #tpu.memory_space<any>> -> memref<5000x128xf32, #tpu.memory_space<any>>
    tpu.enqueue_dma source(%dma_start3A_1 : memref<5000x128xf32, #tpu.memory_space<any>>) target(%arg4 : memref<5000x128xf32, #tpu.memory_space<vmem>>) target_semaphore(%arg8 : memref<!tpu.dma_semaphore, #tpu.memory_space<semaphore_mem>>)
    %dma_start3A_2 = arith.constant 5000 : i32
    %dma_start3A_3 = arith.constant 0 : i32
    %dma_start3A_4 = tpu.memref_slice %arg0[%dma_start3A_2, %dma_start3A_3] : memref<100000x128xf32, #tpu.memory_space<any>> -> memref<5000x128xf32, #tpu.memory_space<any>>
    tpu.enqueue_dma source(%dma_start3A_4 : memref<5000x128xf32, #tpu.memory_space<any>>) target(%arg5 : memref<5000x128xf32, #tpu.memory_space<vmem>>) target_semaphore(%arg9 : memref<!tpu.dma_semaphore, #tpu.memory_space<semaphore_mem>>)
    %dma_start3A_5 = arith.constant 10000 : i32
    %dma_start3A_6 = arith.constant 0 : i32
    %dma_start3A_7 = tpu.memref_slice %arg0[%dma_start3A_5, %dma_start3A_6] : memref<100000x128xf32, #tpu.memory_space<any>> -> memref<5000x128xf32, #tpu.memory_space<any>>
    tpu.enqueue_dma source(%dma_start3A_7 : memref<5000x128xf32, #tpu.memory_space<any>>) target(%arg6 : memref<5000x128xf32, #tpu.memory_space<vmem>>) target_semaphore(%arg10 : memref<!tpu.dma_semaphore, #tpu.memory_space<semaphore_mem>>)
    %broadcast_in_dim3A = arith.constant 0.000000e+00 : f32
    %broadcast_in_dim3A_8 = vector.broadcast %broadcast_in_dim3A : f32 to vector<8x128xf32>
    %dma_wait3A = arith.constant 0 : i32
    %dma_wait3A_9 = arith.constant 0 : i32
    %dma_wait3A_10 = tpu.memref_slice %arg0[%dma_wait3A, %dma_wait3A_9] : memref<100000x128xf32, #tpu.memory_space<any>> -> memref<5000x128xf32, #tpu.memory_space<any>>
    tpu.wait_dma2 semaphore(%arg8 : memref<!tpu.dma_semaphore, #tpu.memory_space<semaphore_mem>>) src(%dma_wait3A_10 : memref<5000x128xf32, #tpu.memory_space<any>>) dst(%arg4 : memref<5000x128xf32, #tpu.memory_space<vmem>>)
    %dma_start3A_11 = arith.constant 15000 : i32
    %dma_start3A_12 = arith.constant 0 : i32
    %dma_start3A_13 = tpu.memref_slice %arg0[%dma_start3A_11, %dma_start3A_12] : memref<100000x128xf32, #tpu.memory_space<any>> -> memref<5000x128xf32, #tpu.memory_space<any>>
    tpu.enqueue_dma source(%dma_start3A_13 : memref<5000x128xf32, #tpu.memory_space<any>>) target(%arg7 : memref<5000x128xf32, #tpu.memory_space<vmem>>) target_semaphore(%arg11 : memref<!tpu.dma_semaphore, #tpu.memory_space<semaphore_mem>>)
    %get3A = arith.constant 0 : index
    %get3A_14 = arith.constant 0 : index
    %get3A_15 = vector.load %arg4[%get3A, %get3A_14] : memref<5000x128xf32, #tpu.memory_space<vmem>>, vector<5000x128xf32>
    %reshape3A = vector.shape_cast %get3A_15 : vector<5000x128xf32> to vector<625x8x128xf32>
    %reduce_sum3A = arith.constant dense<0.000000e+00> : vector<8x128xf32>
    %reduce_sum3A_16 = vector.multi_reduction <add>, %reshape3A, %reduce_sum3A [0] : vector<625x8x128xf32> to vector<8x128xf32>
    %add3A = arith.addf %broadcast_in_dim3A_8, %reduce_sum3A_16 : vector<8x128xf32>
    %dma_wait3A_17 = arith.constant 5000 : i32
    %dma_wait3A_18 = arith.constant 0 : i32
    %dma_wait3A_19 = tpu.memref_slice %arg0[%dma_wait3A_17, %dma_wait3A_18] : memref<100000x128xf32, #tpu.memory_space<any>> -> memref<5000x128xf32, #tpu.memory_space<any>>
    tpu.wait_dma2 semaphore(%arg9 : memref<!tpu.dma_semaphore, #tpu.memory_space<semaphore_mem>>) src(%dma_wait3A_19 : memref<5000x128xf32, #tpu.memory_space<any>>) dst(%arg5 : memref<5000x128xf32, #tpu.memory_space<vmem>>)
    %dma_start3A_20 = arith.constant 20000 : i32
    %dma_start3A_21 = arith.constant 0 : i32
    %dma_start3A_22 = tpu.memref_slice %arg0[%dma_start3A_20, %dma_start3A_21] : memref<100000x128xf32, #tpu.memory_space<any>> -> memref<5000x128xf32, #tpu.memory_space<any>>
    tpu.enqueue_dma source(%dma_start3A_22 : memref<5000x128xf32, #tpu.memory_space<any>>) target(%arg4 : memref<5000x128xf32, #tpu.memory_space<vmem>>) target_semaphore(%arg8 : memref<!tpu.dma_semaphore, #tpu.memory_space<semaphore_mem>>)
    %get3A_23 = arith.constant 0 : index
    %get3A_24 = arith.constant 0 : index
    %get3A_25 = vector.load %arg5[%get3A_23, %get3A_24] : memref<5000x128xf32, #tpu.memory_space<vmem>>, vector<5000x128xf32>
    %reshape3A_26 = vector.shape_cast %get3A_25 : vector<5000x128xf32> to vector<625x8x128xf32>
    %reduce_sum3A_27 = arith.constant dense<0.000000e+00> : vector<8x128xf32>
    %reduce_sum3A_28 = vector.multi_reduction <add>, %reshape3A_26, %reduce_sum3A_27 [0] : vector<625x8x128xf32> to vector<8x128xf32>
    %add3A_29 = arith.addf %add3A, %reduce_sum3A_28 : vector<8x128xf32>
    %dma_wait3A_30 = arith.constant 10000 : i32
    %dma_wait3A_31 = arith.constant 0 : i32
    %dma_wait3A_32 = tpu.memref_slice %arg0[%dma_wait3A_30, %dma_wait3A_31] : memref<100000x128xf32, #tpu.memory_space<any>> -> memref<5000x128xf32, #tpu.memory_space<any>>
    tpu.wait_dma2 semaphore(%arg10 : memref<!tpu.dma_semaphore, #tpu.memory_space<semaphore_mem>>) src(%dma_wait3A_32 : memref<5000x128xf32, #tpu.memory_space<any>>) dst(%arg6 : memref<5000x128xf32, #tpu.memory_space<vmem>>)
    %dma_start3A_33 = arith.constant 25000 : i32
    %dma_start3A_34 = arith.constant 0 : i32
    %dma_start3A_35 = tpu.memref_slice %arg0[%dma_start3A_33, %dma_start3A_34] : memref<100000x128xf32, #tpu.memory_space<any>> -> memref<5000x128xf32, #tpu.memory_space<any>>
    tpu.enqueue_dma source(%dma_start3A_35 : memref<5000x128xf32, #tpu.memory_space<any>>) target(%arg5 : memref<5000x128xf32, #tpu.memory_space<vmem>>) target_semaphore(%arg9 : memref<!tpu.dma_semaphore, #tpu.memory_space<semaphore_mem>>)
    %get3A_36 = arith.constant 0 : index
    %get3A_37 = arith.constant 0 : index
    %get3A_38 = vector.load %arg6[%get3A_36, %get3A_37] : memref<5000x128xf32, #tpu.memory_space<vmem>>, vector<5000x128xf32>
    %reshape3A_39 = vector.shape_cast %get3A_38 : vector<5000x128xf32> to vector<625x8x128xf32>
    %reduce_sum3A_40 = arith.constant dense<0.000000e+00> : vector<8x128xf32>
    %reduce_sum3A_41 = vector.multi_reduction <add>, %reshape3A_39, %reduce_sum3A_40 [0] : vector<625x8x128xf32> to vector<8x128xf32>
    %add3A_42 = arith.addf %add3A_29, %reduce_sum3A_41 : vector<8x128xf32>
    %dma_wait3A_43 = arith.constant 15000 : i32
    %dma_wait3A_44 = arith.constant 0 : i32
    %dma_wait3A_45 = tpu.memref_slice %arg0[%dma_wait3A_43, %dma_wait3A_44] : memref<100000x128xf32, #tpu.memory_space<any>> -> memref<5000x128xf32, #tpu.memory_space<any>>
    tpu.wait_dma2 semaphore(%arg11 : memref<!tpu.dma_semaphore, #tpu.memory_space<semaphore_mem>>) src(%dma_wait3A_45 : memref<5000x128xf32, #tpu.memory_space<any>>) dst(%arg7 : memref<5000x128xf32, #tpu.memory_space<vmem>>)
    %dma_start3A_46 = arith.constant 30000 : i32
    %dma_start3A_47 = arith.constant 0 : i32
    %dma_start3A_48 = tpu.memref_slice %arg0[%dma_start3A_46, %dma_start3A_47] : memref<100000x128xf32, #tpu.memory_space<any>> -> memref<5000x128xf32, #tpu.memory_space<any>>
    tpu.enqueue_dma source(%dma_start3A_48 : memref<5000x128xf32, #tpu.memory_space<any>>) target(%arg6 : memref<5000x128xf32, #tpu.memory_space<vmem>>) target_semaphore(%arg10 : memref<!tpu.dma_semaphore, #tpu.memory_space<semaphore_mem>>)
    %get3A_49 = arith.constant 0 : index
    %get3A_50 = arith.constant 0 : index
    %get3A_51 = vector.load %arg7[%get3A_49, %get3A_50] : memref<5000x128xf32, #tpu.memory_space<vmem>>, vector<5000x128xf32>
    %reshape3A_52 = vector.shape_cast %get3A_51 : vector<5000x128xf32> to vector<625x8x128xf32>
    %reduce_sum3A_53 = arith.constant dense<0.000000e+00> : vector<8x128xf32>
    %reduce_sum3A_54 = vector.multi_reduction <add>, %reshape3A_52, %reduce_sum3A_53 [0] : vector<625x8x128xf32> to vector<8x128xf32>
    %add3A_55 = arith.addf %add3A_42, %reduce_sum3A_54 : vector<8x128xf32>
    %dma_wait3A_56 = arith.constant 20000 : i32
    %dma_wait3A_57 = arith.constant 0 : i32
    %dma_wait3A_58 = tpu.memref_slice %arg0[%dma_wait3A_56, %dma_wait3A_57] : memref<100000x128xf32, #tpu.memory_space<any>> -> memref<5000x128xf32, #tpu.memory_space<any>>
    tpu.wait_dma2 semaphore(%arg8 : memref<!tpu.dma_semaphore, #tpu.memory_space<semaphore_mem>>) src(%dma_wait3A_58 : memref<5000x128xf32, #tpu.memory_space<any>>) dst(%arg4 : memref<5000x128xf32, #tpu.memory_space<vmem>>)
    %dma_start3A_59 = arith.constant 35000 : i32
    %dma_start3A_60 = arith.constant 0 : i32
    %dma_start3A_61 = tpu.memref_slice %arg0[%dma_start3A_59, %dma_start3A_60] : memref<100000x128xf32, #tpu.memory_space<any>> -> memref<5000x128xf32, #tpu.memory_space<any>>
    tpu.enqueue_dma source(%dma_start3A_61 : memref<5000x128xf32, #tpu.memory_space<any>>) target(%arg7 : memref<5000x128xf32, #tpu.memory_space<vmem>>) target_semaphore(%arg11 : memref<!tpu.dma_semaphore, #tpu.memory_space<semaphore_mem>>)
    %get3A_62 = arith.constant 0 : index
    %get3A_63 = arith.constant 0 : index
    %get3A_64 = vector.load %arg4[%get3A_62, %get3A_63] : memref<5000x128xf32, #tpu.memory_space<vmem>>, vector<5000x128xf32>
    %reshape3A_65 = vector.shape_cast %get3A_64 : vector<5000x128xf32> to vector<625x8x128xf32>
    %reduce_sum3A_66 = arith.constant dense<0.000000e+00> : vector<8x128xf32>
    %reduce_sum3A_67 = vector.multi_reduction <add>, %reshape3A_65, %reduce_sum3A_66 [0] : vector<625x8x128xf32> to vector<8x128xf32>
    %add3A_68 = arith.addf %add3A_55, %reduce_sum3A_67 : vector<8x128xf32>
    %dma_wait3A_69 = arith.constant 25000 : i32
    %dma_wait3A_70 = arith.constant 0 : i32
    %dma_wait3A_71 = tpu.memref_slice %arg0[%dma_wait3A_69, %dma_wait3A_70] : memref<100000x128xf32, #tpu.memory_space<any>> -> memref<5000x128xf32, #tpu.memory_space<any>>
    tpu.wait_dma2 semaphore(%arg9 : memref<!tpu.dma_semaphore, #tpu.memory_space<semaphore_mem>>) src(%dma_wait3A_71 : memref<5000x128xf32, #tpu.memory_space<any>>) dst(%arg5 : memref<5000x128xf32, #tpu.memory_space<vmem>>)
    %dma_start3A_72 = arith.constant 40000 : i32
    %dma_start3A_73 = arith.constant 0 : i32
    %dma_start3A_74 = tpu.memref_slice %arg0[%dma_start3A_72, %dma_start3A_73] : memref<100000x128xf32, #tpu.memory_space<any>> -> memref<5000x128xf32, #tpu.memory_space<any>>
    tpu.enqueue_dma source(%dma_start3A_74 : memref<5000x128xf32, #tpu.memory_space<any>>) target(%arg4 : memref<5000x128xf32, #tpu.memory_space<vmem>>) target_semaphore(%arg8 : memref<!tpu.dma_semaphore, #tpu.memory_space<semaphore_mem>>)
    %get3A_75 = arith.constant 0 : index
    %get3A_76 = arith.constant 0 : index
    %get3A_77 = vector.load %arg5[%get3A_75, %get3A_76] : memref<5000x128xf32, #tpu.memory_space<vmem>>, vector<5000x128xf32>
    %reshape3A_78 = vector.shape_cast %get3A_77 : vector<5000x128xf32> to vector<625x8x128xf32>
    %reduce_sum3A_79 = arith.constant dense<0.000000e+00> : vector<8x128xf32>
    %reduce_sum3A_80 = vector.multi_reduction <add>, %reshape3A_78, %reduce_sum3A_79 [0] : vector<625x8x128xf32> to vector<8x128xf32>
    %add3A_81 = arith.addf %add3A_68, %reduce_sum3A_80 : vector<8x128xf32>
    %dma_wait3A_82 = arith.constant 30000 : i32
    %dma_wait3A_83 = arith.constant 0 : i32
    %dma_wait3A_84 = tpu.memref_slice %arg0[%dma_wait3A_82, %dma_wait3A_83] : memref<100000x128xf32, #tpu.memory_space<any>> -> memref<5000x128xf32, #tpu.memory_space<any>>
    tpu.wait_dma2 semaphore(%arg10 : memref<!tpu.dma_semaphore, #tpu.memory_space<semaphore_mem>>) src(%dma_wait3A_84 : memref<5000x128xf32, #tpu.memory_space<any>>) dst(%arg6 : memref<5000x128xf32, #tpu.memory_space<vmem>>)
    %dma_start3A_85 = arith.constant 45000 : i32
    %dma_start3A_86 = arith.constant 0 : i32
    %dma_start3A_87 = tpu.memref_slice %arg0[%dma_start3A_85, %dma_start3A_86] : memref<100000x128xf32, #tpu.memory_space<any>> -> memref<5000x128xf32, #tpu.memory_space<any>>
    tpu.enqueue_dma source(%dma_start3A_87 : memref<5000x128xf32, #tpu.memory_space<any>>) target(%arg5 : memref<5000x128xf32, #tpu.memory_space<vmem>>) target_semaphore(%arg9 : memref<!tpu.dma_semaphore, #tpu.memory_space<semaphore_mem>>)
    %get3A_88 = arith.constant 0 : index
    %get3A_89 = arith.constant 0 : index
    %get3A_90 = vector.load %arg6[%get3A_88, %get3A_89] : memref<5000x128xf32, #tpu.memory_space<vmem>>, vector<5000x128xf32>
    %reshape3A_91 = vector.shape_cast %get3A_90 : vector<5000x128xf32> to vector<625x8x128xf32>
    %reduce_sum3A_92 = arith.constant dense<0.000000e+00> : vector<8x128xf32>
    %reduce_sum3A_93 = vector.multi_reduction <add>, %reshape3A_91, %reduce_sum3A_92 [0] : vector<625x8x128xf32> to vector<8x128xf32>
    %add3A_94 = arith.addf %add3A_81, %reduce_sum3A_93 : vector<8x128xf32>
    %dma_wait3A_95 = arith.constant 35000 : i32
    %dma_wait3A_96 = arith.constant 0 : i32
    %dma_wait3A_97 = tpu.memref_slice %arg0[%dma_wait3A_95, %dma_wait3A_96] : memref<100000x128xf32, #tpu.memory_space<any>> -> memref<5000x128xf32, #tpu.memory_space<any>>
    tpu.wait_dma2 semaphore(%arg11 : memref<!tpu.dma_semaphore, #tpu.memory_space<semaphore_mem>>) src(%dma_wait3A_97 : memref<5000x128xf32, #tpu.memory_space<any>>) dst(%arg7 : memref<5000x128xf32, #tpu.memory_space<vmem>>)
    %dma_start3A_98 = arith.constant 50000 : i32
    %dma_start3A_99 = arith.constant 0 : i32
    %dma_start3A_100 = tpu.memref_slice %arg0[%dma_start3A_98, %dma_start3A_99] : memref<100000x128xf32, #tpu.memory_space<any>> -> memref<5000x128xf32, #tpu.memory_space<any>>
    tpu.enqueue_dma source(%dma_start3A_100 : memref<5000x128xf32, #tpu.memory_space<any>>) target(%arg6 : memref<5000x128xf32, #tpu.memory_space<vmem>>) target_semaphore(%arg10 : memref<!tpu.dma_semaphore, #tpu.memory_space<semaphore_mem>>)
    %get3A_101 = arith.constant 0 : index
    %get3A_102 = arith.constant 0 : index
    %get3A_103 = vector.load %arg7[%get3A_101, %get3A_102] : memref<5000x128xf32, #tpu.memory_space<vmem>>, vector<5000x128xf32>
    %reshape3A_104 = vector.shape_cast %get3A_103 : vector<5000x128xf32> to vector<625x8x128xf32>
    %reduce_sum3A_105 = arith.constant dense<0.000000e+00> : vector<8x128xf32>
    %reduce_sum3A_106 = vector.multi_reduction <add>, %reshape3A_104, %reduce_sum3A_105 [0] : vector<625x8x128xf32> to vector<8x128xf32>
    %add3A_107 = arith.addf %add3A_94, %reduce_sum3A_106 : vector<8x128xf32>
    %dma_wait3A_108 = arith.constant 40000 : i32
    %dma_wait3A_109 = arith.constant 0 : i32
    %dma_wait3A_110 = tpu.memref_slice %arg0[%dma_wait3A_108, %dma_wait3A_109] : memref<100000x128xf32, #tpu.memory_space<any>> -> memref<5000x128xf32, #tpu.memory_space<any>>
    tpu.wait_dma2 semaphore(%arg8 : memref<!tpu.dma_semaphore, #tpu.memory_space<semaphore_mem>>) src(%dma_wait3A_110 : memref<5000x128xf32, #tpu.memory_space<any>>) dst(%arg4 : memref<5000x128xf32, #tpu.memory_space<vmem>>)
    %dma_start3A_111 = arith.constant 55000 : i32
    %dma_start3A_112 = arith.constant 0 : i32
    %dma_start3A_113 = tpu.memref_slice %arg0[%dma_start3A_111, %dma_start3A_112] : memref<100000x128xf32, #tpu.memory_space<any>> -> memref<5000x128xf32, #tpu.memory_space<any>>
    tpu.enqueue_dma source(%dma_start3A_113 : memref<5000x128xf32, #tpu.memory_space<any>>) target(%arg7 : memref<5000x128xf32, #tpu.memory_space<vmem>>) target_semaphore(%arg11 : memref<!tpu.dma_semaphore, #tpu.memory_space<semaphore_mem>>)
    %get3A_114 = arith.constant 0 : index
    %get3A_115 = arith.constant 0 : index
    %get3A_116 = vector.load %arg4[%get3A_114, %get3A_115] : memref<5000x128xf32, #tpu.memory_space<vmem>>, vector<5000x128xf32>
    %reshape3A_117 = vector.shape_cast %get3A_116 : vector<5000x128xf32> to vector<625x8x128xf32>
    %reduce_sum3A_118 = arith.constant dense<0.000000e+00> : vector<8x128xf32>
    %reduce_sum3A_119 = vector.multi_reduction <add>, %reshape3A_117, %reduce_sum3A_118 [0] : vector<625x8x128xf32> to vector<8x128xf32>
    %add3A_120 = arith.addf %add3A_107, %reduce_sum3A_119 : vector<8x128xf32>
    %dma_wait3A_121 = arith.constant 45000 : i32
    %dma_wait3A_122 = arith.constant 0 : i32
    %dma_wait3A_123 = tpu.memref_slice %arg0[%dma_wait3A_121, %dma_wait3A_122] : memref<100000x128xf32, #tpu.memory_space<any>> -> memref<5000x128xf32, #tpu.memory_space<any>>
    tpu.wait_dma2 semaphore(%arg9 : memref<!tpu.dma_semaphore, #tpu.memory_space<semaphore_mem>>) src(%dma_wait3A_123 : memref<5000x128xf32, #tpu.memory_space<any>>) dst(%arg5 : memref<5000x128xf32, #tpu.memory_space<vmem>>)
    %dma_start3A_124 = arith.constant 60000 : i32
    %dma_start3A_125 = arith.constant 0 : i32
    %dma_start3A_126 = tpu.memref_slice %arg0[%dma_start3A_124, %dma_start3A_125] : memref<100000x128xf32, #tpu.memory_space<any>> -> memref<5000x128xf32, #tpu.memory_space<any>>
    tpu.enqueue_dma source(%dma_start3A_126 : memref<5000x128xf32, #tpu.memory_space<any>>) target(%arg4 : memref<5000x128xf32, #tpu.memory_space<vmem>>) target_semaphore(%arg8 : memref<!tpu.dma_semaphore, #tpu.memory_space<semaphore_mem>>)
    %get3A_127 = arith.constant 0 : index
    %get3A_128 = arith.constant 0 : index
    %get3A_129 = vector.load %arg5[%get3A_127, %get3A_128] : memref<5000x128xf32, #tpu.memory_space<vmem>>, vector<5000x128xf32>
    %reshape3A_130 = vector.shape_cast %get3A_129 : vector<5000x128xf32> to vector<625x8x128xf32>
    %reduce_sum3A_131 = arith.constant dense<0.000000e+00> : vector<8x128xf32>
    %reduce_sum3A_132 = vector.multi_reduction <add>, %reshape3A_130, %reduce_sum3A_131 [0] : vector<625x8x128xf32> to vector<8x128xf32>
    %add3A_133 = arith.addf %add3A_120, %reduce_sum3A_132 : vector<8x128xf32>
    %dma_wait3A_134 = arith.constant 50000 : i32
    %dma_wait3A_135 = arith.constant 0 : i32
    %dma_wait3A_136 = tpu.memref_slice %arg0[%dma_wait3A_134, %dma_wait3A_135] : memref<100000x128xf32, #tpu.memory_space<any>> -> memref<5000x128xf32, #tpu.memory_space<any>>
    tpu.wait_dma2 semaphore(%arg10 : memref<!tpu.dma_semaphore, #tpu.memory_space<semaphore_mem>>) src(%dma_wait3A_136 : memref<5000x128xf32, #tpu.memory_space<any>>) dst(%arg6 : memref<5000x128xf32, #tpu.memory_space<vmem>>)
    %dma_start3A_137 = arith.constant 65000 : i32
    %dma_start3A_138 = arith.constant 0 : i32
    %dma_start3A_139 = tpu.memref_slice %arg0[%dma_start3A_137, %dma_start3A_138] : memref<100000x128xf32, #tpu.memory_space<any>> -> memref<5000x128xf32, #tpu.memory_space<any>>
    tpu.enqueue_dma source(%dma_start3A_139 : memref<5000x128xf32, #tpu.memory_space<any>>) target(%arg5 : memref<5000x128xf32, #tpu.memory_space<vmem>>) target_semaphore(%arg9 : memref<!tpu.dma_semaphore, #tpu.memory_space<semaphore_mem>>)
    %get3A_140 = arith.constant 0 : index
    %get3A_141 = arith.constant 0 : index
    %get3A_142 = vector.load %arg6[%get3A_140, %get3A_141] : memref<5000x128xf32, #tpu.memory_space<vmem>>, vector<5000x128xf32>
    %reshape3A_143 = vector.shape_cast %get3A_142 : vector<5000x128xf32> to vector<625x8x128xf32>
    %reduce_sum3A_144 = arith.constant dense<0.000000e+00> : vector<8x128xf32>
    %reduce_sum3A_145 = vector.multi_reduction <add>, %reshape3A_143, %reduce_sum3A_144 [0] : vector<625x8x128xf32> to vector<8x128xf32>
    %add3A_146 = arith.addf %add3A_133, %reduce_sum3A_145 : vector<8x128xf32>
    %dma_wait3A_147 = arith.constant 55000 : i32
    %dma_wait3A_148 = arith.constant 0 : i32
    %dma_wait3A_149 = tpu.memref_slice %arg0[%dma_wait3A_147, %dma_wait3A_148] : memref<100000x128xf32, #tpu.memory_space<any>> -> memref<5000x128xf32, #tpu.memory_space<any>>
    tpu.wait_dma2 semaphore(%arg11 : memref<!tpu.dma_semaphore, #tpu.memory_space<semaphore_mem>>) src(%dma_wait3A_149 : memref<5000x128xf32, #tpu.memory_space<any>>) dst(%arg7 : memref<5000x128xf32, #tpu.memory_space<vmem>>)
    %dma_start3A_150 = arith.constant 70000 : i32
    %dma_start3A_151 = arith.constant 0 : i32
    %dma_start3A_152 = tpu.memref_slice %arg0[%dma_start3A_150, %dma_start3A_151] : memref<100000x128xf32, #tpu.memory_space<any>> -> memref<5000x128xf32, #tpu.memory_space<any>>
    tpu.enqueue_dma source(%dma_start3A_152 : memref<5000x128xf32, #tpu.memory_space<any>>) target(%arg6 : memref<5000x128xf32, #tpu.memory_space<vmem>>) target_semaphore(%arg10 : memref<!tpu.dma_semaphore, #tpu.memory_space<semaphore_mem>>)
    %get3A_153 = arith.constant 0 : index
    %get3A_154 = arith.constant 0 : index
    %get3A_155 = vector.load %arg7[%get3A_153, %get3A_154] : memref<5000x128xf32, #tpu.memory_space<vmem>>, vector<5000x128xf32>
    %reshape3A_156 = vector.shape_cast %get3A_155 : vector<5000x128xf32> to vector<625x8x128xf32>
    %reduce_sum3A_157 = arith.constant dense<0.000000e+00> : vector<8x128xf32>
    %reduce_sum3A_158 = vector.multi_reduction <add>, %reshape3A_156, %reduce_sum3A_157 [0] : vector<625x8x128xf32> to vector<8x128xf32>
    %add3A_159 = arith.addf %add3A_146, %reduce_sum3A_158 : vector<8x128xf32>
    %dma_wait3A_160 = arith.constant 60000 : i32
    %dma_wait3A_161 = arith.constant 0 : i32
    %dma_wait3A_162 = tpu.memref_slice %arg0[%dma_wait3A_160, %dma_wait3A_161] : memref<100000x128xf32, #tpu.memory_space<any>> -> memref<5000x128xf32, #tpu.memory_space<any>>
    tpu.wait_dma2 semaphore(%arg8 : memref<!tpu.dma_semaphore, #tpu.memory_space<semaphore_mem>>) src(%dma_wait3A_162 : memref<5000x128xf32, #tpu.memory_space<any>>) dst(%arg4 : memref<5000x128xf32, #tpu.memory_space<vmem>>)
    %dma_start3A_163 = arith.constant 75000 : i32
    %dma_start3A_164 = arith.constant 0 : i32
    %dma_start3A_165 = tpu.memref_slice %arg0[%dma_start3A_163, %dma_start3A_164] : memref<100000x128xf32, #tpu.memory_space<any>> -> memref<5000x128xf32, #tpu.memory_space<any>>
    tpu.enqueue_dma source(%dma_start3A_165 : memref<5000x128xf32, #tpu.memory_space<any>>) target(%arg7 : memref<5000x128xf32, #tpu.memory_space<vmem>>) target_semaphore(%arg11 : memref<!tpu.dma_semaphore, #tpu.memory_space<semaphore_mem>>)
    %get3A_166 = arith.constant 0 : index
    %get3A_167 = arith.constant 0 : index
    %get3A_168 = vector.load %arg4[%get3A_166, %get3A_167] : memref<5000x128xf32, #tpu.memory_space<vmem>>, vector<5000x128xf32>
    %reshape3A_169 = vector.shape_cast %get3A_168 : vector<5000x128xf32> to vector<625x8x128xf32>
    %reduce_sum3A_170 = arith.constant dense<0.000000e+00> : vector<8x128xf32>
    %reduce_sum3A_171 = vector.multi_reduction <add>, %reshape3A_169, %reduce_sum3A_170 [0] : vector<625x8x128xf32> to vector<8x128xf32>
    %add3A_172 = arith.addf %add3A_159, %reduce_sum3A_171 : vector<8x128xf32>
    %dma_wait3A_173 = arith.constant 65000 : i32
    %dma_wait3A_174 = arith.constant 0 : i32
    %dma_wait3A_175 = tpu.memref_slice %arg0[%dma_wait3A_173, %dma_wait3A_174] : memref<100000x128xf32, #tpu.memory_space<any>> -> memref<5000x128xf32, #tpu.memory_space<any>>
    tpu.wait_dma2 semaphore(%arg9 : memref<!tpu.dma_semaphore, #tpu.memory_space<semaphore_mem>>) src(%dma_wait3A_175 : memref<5000x128xf32, #tpu.memory_space<any>>) dst(%arg5 : memref<5000x128xf32, #tpu.memory_space<vmem>>)
    %dma_start3A_176 = arith.constant 80000 : i32
    %dma_start3A_177 = arith.constant 0 : i32
    %dma_start3A_178 = tpu.memref_slice %arg0[%dma_start3A_176, %dma_start3A_177] : memref<100000x128xf32, #tpu.memory_space<any>> -> memref<5000x128xf32, #tpu.memory_space<any>>
    tpu.enqueue_dma source(%dma_start3A_178 : memref<5000x128xf32, #tpu.memory_space<any>>) target(%arg4 : memref<5000x128xf32, #tpu.memory_space<vmem>>) target_semaphore(%arg8 : memref<!tpu.dma_semaphore, #tpu.memory_space<semaphore_mem>>)
    %get3A_179 = arith.constant 0 : index
    %get3A_180 = arith.constant 0 : index
    %get3A_181 = vector.load %arg5[%get3A_179, %get3A_180] : memref<5000x128xf32, #tpu.memory_space<vmem>>, vector<5000x128xf32>
    %reshape3A_182 = vector.shape_cast %get3A_181 : vector<5000x128xf32> to vector<625x8x128xf32>
    %reduce_sum3A_183 = arith.constant dense<0.000000e+00> : vector<8x128xf32>
    %reduce_sum3A_184 = vector.multi_reduction <add>, %reshape3A_182, %reduce_sum3A_183 [0] : vector<625x8x128xf32> to vector<8x128xf32>
    %add3A_185 = arith.addf %add3A_172, %reduce_sum3A_184 : vector<8x128xf32>
    %dma_wait3A_186 = arith.constant 70000 : i32
    %dma_wait3A_187 = arith.constant 0 : i32
    %dma_wait3A_188 = tpu.memref_slice %arg0[%dma_wait3A_186, %dma_wait3A_187] : memref<100000x128xf32, #tpu.memory_space<any>> -> memref<5000x128xf32, #tpu.memory_space<any>>
    tpu.wait_dma2 semaphore(%arg10 : memref<!tpu.dma_semaphore, #tpu.memory_space<semaphore_mem>>) src(%dma_wait3A_188 : memref<5000x128xf32, #tpu.memory_space<any>>) dst(%arg6 : memref<5000x128xf32, #tpu.memory_space<vmem>>)
    %dma_start3A_189 = arith.constant 85000 : i32
    %dma_start3A_190 = arith.constant 0 : i32
    %dma_start3A_191 = tpu.memref_slice %arg0[%dma_start3A_189, %dma_start3A_190] : memref<100000x128xf32, #tpu.memory_space<any>> -> memref<5000x128xf32, #tpu.memory_space<any>>
    tpu.enqueue_dma source(%dma_start3A_191 : memref<5000x128xf32, #tpu.memory_space<any>>) target(%arg5 : memref<5000x128xf32, #tpu.memory_space<vmem>>) target_semaphore(%arg9 : memref<!tpu.dma_semaphore, #tpu.memory_space<semaphore_mem>>)
    %get3A_192 = arith.constant 0 : index
    %get3A_193 = arith.constant 0 : index
    %get3A_194 = vector.load %arg6[%get3A_192, %get3A_193] : memref<5000x128xf32, #tpu.memory_space<vmem>>, vector<5000x128xf32>
    %reshape3A_195 = vector.shape_cast %get3A_194 : vector<5000x128xf32> to vector<625x8x128xf32>
    %reduce_sum3A_196 = arith.constant dense<0.000000e+00> : vector<8x128xf32>
    %reduce_sum3A_197 = vector.multi_reduction <add>, %reshape3A_195, %reduce_sum3A_196 [0] : vector<625x8x128xf32> to vector<8x128xf32>
    %add3A_198 = arith.addf %add3A_185, %reduce_sum3A_197 : vector<8x128xf32>
    %dma_wait3A_199 = arith.constant 75000 : i32
    %dma_wait3A_200 = arith.constant 0 : i32
    %dma_wait3A_201 = tpu.memref_slice %arg0[%dma_wait3A_199, %dma_wait3A_200] : memref<100000x128xf32, #tpu.memory_space<any>> -> memref<5000x128xf32, #tpu.memory_space<any>>
    tpu.wait_dma2 semaphore(%arg11 : memref<!tpu.dma_semaphore, #tpu.memory_space<semaphore_mem>>) src(%dma_wait3A_201 : memref<5000x128xf32, #tpu.memory_space<any>>) dst(%arg7 : memref<5000x128xf32, #tpu.memory_space<vmem>>)
    %dma_start3A_202 = arith.constant 90000 : i32
    %dma_start3A_203 = arith.constant 0 : i32
    %dma_start3A_204 = tpu.memref_slice %arg0[%dma_start3A_202, %dma_start3A_203] : memref<100000x128xf32, #tpu.memory_space<any>> -> memref<5000x128xf32, #tpu.memory_space<any>>
    tpu.enqueue_dma source(%dma_start3A_204 : memref<5000x128xf32, #tpu.memory_space<any>>) target(%arg6 : memref<5000x128xf32, #tpu.memory_space<vmem>>) target_semaphore(%arg10 : memref<!tpu.dma_semaphore, #tpu.memory_space<semaphore_mem>>)
    %get3A_205 = arith.constant 0 : index
    %get3A_206 = arith.constant 0 : index
    %get3A_207 = vector.load %arg7[%get3A_205, %get3A_206] : memref<5000x128xf32, #tpu.memory_space<vmem>>, vector<5000x128xf32>
    %reshape3A_208 = vector.shape_cast %get3A_207 : vector<5000x128xf32> to vector<625x8x128xf32>
    %reduce_sum3A_209 = arith.constant dense<0.000000e+00> : vector<8x128xf32>
    %reduce_sum3A_210 = vector.multi_reduction <add>, %reshape3A_208, %reduce_sum3A_209 [0] : vector<625x8x128xf32> to vector<8x128xf32>
    %add3A_211 = arith.addf %add3A_198, %reduce_sum3A_210 : vector<8x128xf32>
    %dma_wait3A_212 = arith.constant 80000 : i32
    %dma_wait3A_213 = arith.constant 0 : i32
    %dma_wait3A_214 = tpu.memref_slice %arg0[%dma_wait3A_212, %dma_wait3A_213] : memref<100000x128xf32, #tpu.memory_space<any>> -> memref<5000x128xf32, #tpu.memory_space<any>>
    tpu.wait_dma2 semaphore(%arg8 : memref<!tpu.dma_semaphore, #tpu.memory_space<semaphore_mem>>) src(%dma_wait3A_214 : memref<5000x128xf32, #tpu.memory_space<any>>) dst(%arg4 : memref<5000x128xf32, #tpu.memory_space<vmem>>)
    %dma_start3A_215 = arith.constant 95000 : i32
    %dma_start3A_216 = arith.constant 0 : i32
    %dma_start3A_217 = tpu.memref_slice %arg0[%dma_start3A_215, %dma_start3A_216] : memref<100000x128xf32, #tpu.memory_space<any>> -> memref<5000x128xf32, #tpu.memory_space<any>>
    tpu.enqueue_dma source(%dma_start3A_217 : memref<5000x128xf32, #tpu.memory_space<any>>) target(%arg7 : memref<5000x128xf32, #tpu.memory_space<vmem>>) target_semaphore(%arg11 : memref<!tpu.dma_semaphore, #tpu.memory_space<semaphore_mem>>)
    %get3A_218 = arith.constant 0 : index
    %get3A_219 = arith.constant 0 : index
    %get3A_220 = vector.load %arg4[%get3A_218, %get3A_219] : memref<5000x128xf32, #tpu.memory_space<vmem>>, vector<5000x128xf32>
    %reshape3A_221 = vector.shape_cast %get3A_220 : vector<5000x128xf32> to vector<625x8x128xf32>
    %reduce_sum3A_222 = arith.constant dense<0.000000e+00> : vector<8x128xf32>
    %reduce_sum3A_223 = vector.multi_reduction <add>, %reshape3A_221, %reduce_sum3A_222 [0] : vector<625x8x128xf32> to vector<8x128xf32>
    %add3A_224 = arith.addf %add3A_211, %reduce_sum3A_223 : vector<8x128xf32>
    %dma_wait3A_225 = arith.constant 85000 : i32
    %dma_wait3A_226 = arith.constant 0 : i32
    %dma_wait3A_227 = tpu.memref_slice %arg0[%dma_wait3A_225, %dma_wait3A_226] : memref<100000x128xf32, #tpu.memory_space<any>> -> memref<5000x128xf32, #tpu.memory_space<any>>
    tpu.wait_dma2 semaphore(%arg9 : memref<!tpu.dma_semaphore, #tpu.memory_space<semaphore_mem>>) src(%dma_wait3A_227 : memref<5000x128xf32, #tpu.memory_space<any>>) dst(%arg5 : memref<5000x128xf32, #tpu.memory_space<vmem>>)
    %get3A_228 = arith.constant 0 : index
    %get3A_229 = arith.constant 0 : index
    %get3A_230 = vector.load %arg5[%get3A_228, %get3A_229] : memref<5000x128xf32, #tpu.memory_space<vmem>>, vector<5000x128xf32>
    %reshape3A_231 = vector.shape_cast %get3A_230 : vector<5000x128xf32> to vector<625x8x128xf32>
    %reduce_sum3A_232 = arith.constant dense<0.000000e+00> : vector<8x128xf32>
    %reduce_sum3A_233 = vector.multi_reduction <add>, %reshape3A_231, %reduce_sum3A_232 [0] : vector<625x8x128xf32> to vector<8x128xf32>
    %add3A_234 = arith.addf %add3A_224, %reduce_sum3A_233 : vector<8x128xf32>
    %dma_wait3A_235 = arith.constant 90000 : i32
    %dma_wait3A_236 = arith.constant 0 : i32
    %dma_wait3A_237 = tpu.memref_slice %arg0[%dma_wait3A_235, %dma_wait3A_236] : memref<100000x128xf32, #tpu.memory_space<any>> -> memref<5000x128xf32, #tpu.memory_space<any>>
    tpu.wait_dma2 semaphore(%arg10 : memref<!tpu.dma_semaphore, #tpu.memory_space<semaphore_mem>>) src(%dma_wait3A_237 : memref<5000x128xf32, #tpu.memory_space<any>>) dst(%arg6 : memref<5000x128xf32, #tpu.memory_space<vmem>>)
    %get3A_238 = arith.constant 0 : index
    %get3A_239 = arith.constant 0 : index
    %get3A_240 = vector.load %arg6[%get3A_238, %get3A_239] : memref<5000x128xf32, #tpu.memory_space<vmem>>, vector<5000x128xf32>
    %reshape3A_241 = vector.shape_cast %get3A_240 : vector<5000x128xf32> to vector<625x8x128xf32>
    %reduce_sum3A_242 = arith.constant dense<0.000000e+00> : vector<8x128xf32>
    %reduce_sum3A_243 = vector.multi_reduction <add>, %reshape3A_241, %reduce_sum3A_242 [0] : vector<625x8x128xf32> to vector<8x128xf32>
    %add3A_244 = arith.addf %add3A_234, %reduce_sum3A_243 : vector<8x128xf32>
    %dma_wait3A_245 = arith.constant 95000 : i32
    %dma_wait3A_246 = arith.constant 0 : i32
    %dma_wait3A_247 = tpu.memref_slice %arg0[%dma_wait3A_245, %dma_wait3A_246] : memref<100000x128xf32, #tpu.memory_space<any>> -> memref<5000x128xf32, #tpu.memory_space<any>>
    tpu.wait_dma2 semaphore(%arg11 : memref<!tpu.dma_semaphore, #tpu.memory_space<semaphore_mem>>) src(%dma_wait3A_247 : memref<5000x128xf32, #tpu.memory_space<any>>) dst(%arg7 : memref<5000x128xf32, #tpu.memory_space<vmem>>)
    %get3A_248 = arith.constant 0 : index
    %get3A_249 = arith.constant 0 : index
    %get3A_250 = vector.load %arg7[%get3A_248, %get3A_249] : memref<5000x128xf32, #tpu.memory_space<vmem>>, vector<5000x128xf32>
    %reshape3A_251 = vector.shape_cast %get3A_250 : vector<5000x128xf32> to vector<625x8x128xf32>
    %reduce_sum3A_252 = arith.constant dense<0.000000e+00> : vector<8x128xf32>
    %reduce_sum3A_253 = vector.multi_reduction <add>, %reshape3A_251, %reduce_sum3A_252 [0] : vector<625x8x128xf32> to vector<8x128xf32>
    %add3A_254 = arith.addf %add3A_244, %reduce_sum3A_253 : vector<8x128xf32>
    %reduce_sum3A_255 = vector.shape_cast %add3A_254 : vector<8x128xf32> to vector<1x8x128xf32>
    %reduce_sum3A_256 = arith.constant dense<0.000000e+00> : vector<1xf32>
    %reduce_sum3A_257 = vector.multi_reduction <add>, %reduce_sum3A_255, %reduce_sum3A_256 [1, 2] : vector<1x8x128xf32> to vector<1xf32>
    %reduce_sum3A_258 = vector.shape_cast %reduce_sum3A_257 : vector<1xf32> to vector<1x1x1xf32>
    %reduce_sum3A_259 = vector.extract %reduce_sum3A_258[0, 0, 0] : f32 from vector<1x1x1xf32>
    %get3A_260 = arith.constant 0 : index
    %get3A_261 = arith.constant 0 : index
    %get3A_262 = vector.load %arg1[%get3A_260, %get3A_261] : memref<32x16xf32, #tpu.memory_space<vmem>>, vector<32x16xf32>
    %reduce_sum3A_263 = vector.shape_cast %get3A_262 : vector<32x16xf32> to vector<1x32x16xf32>
    %reduce_sum3A_264 = arith.constant dense<0.000000e+00> : vector<1xf32>
    %reduce_sum3A_265 = vector.multi_reduction <add>, %reduce_sum3A_263, %reduce_sum3A_264 [1, 2] : vector<1x32x16xf32> to vector<1xf32>
    %reduce_sum3A_266 = vector.shape_cast %reduce_sum3A_265 : vector<1xf32> to vector<1x1x1xf32>
    %reduce_sum3A_267 = vector.extract %reduce_sum3A_266[0, 0, 0] : f32 from vector<1x1x1xf32>
    %get3A_268 = arith.constant 0 : index
    %get3A_269 = arith.constant 0 : index
    %get3A_270 = vector.load %arg2[%get3A_268, %get3A_269] : memref<32x16xf32, #tpu.memory_space<vmem>>, vector<32x16xf32>
    %reduce_sum3A_271 = vector.shape_cast %get3A_270 : vector<32x16xf32> to vector<1x32x16xf32>
    %reduce_sum3A_272 = arith.constant dense<0.000000e+00> : vector<1xf32>
    %reduce_sum3A_273 = vector.multi_reduction <add>, %reduce_sum3A_271, %reduce_sum3A_272 [1, 2] : vector<1x32x16xf32> to vector<1xf32>
    %reduce_sum3A_274 = vector.shape_cast %reduce_sum3A_273 : vector<1xf32> to vector<1x1x1xf32>
    %reduce_sum3A_275 = vector.extract %reduce_sum3A_274[0, 0, 0] : f32 from vector<1x1x1xf32>
    %mul3A = arith.constant -0.245776415 : f32
    %mul3A_276 = arith.mulf %reduce_sum3A_275, %mul3A : f32
    %add3A_277 = arith.constant -176.851669 : f32
    %add3A_278 = arith.addf %mul3A_276, %add3A_277 : f32
    %mul3A_279 = arith.constant 1.000080e-06 : f32
    %mul3A_280 = arith.mulf %mul3A_279, %reduce_sum3A_259 : f32
    %sub3A = arith.subf %add3A_278, %mul3A_280 : f32
    %mul3A_281 = arith.constant 1.124990e-01 : f32
    %mul3A_282 = arith.mulf %mul3A_281, %reduce_sum3A_267 : f32
    %sub3A_283 = arith.subf %sub3A, %mul3A_282 : f32
    %div3A = arith.constant 1.280000e+02 : f32
    %div3A_284 = arith.divf %sub3A_283, %div3A : f32
    %swap3A = arith.constant 0 : index
    %swap3A_285 = arith.constant 0 : index
    %swap3A_286 = memref.load %arg3[%swap3A, %swap3A_285] : memref<1x1xf32, #tpu.memory_space<smem>>
    memref.store %div3A_284, %arg3[%swap3A, %swap3A_285] : memref<1x1xf32, #tpu.memory_space<smem>>
    return
  }
}

</mosaic_0001>

<sc_bundles>
// kernel: kernel.4.cloned.1.call-start
scs
__scs_entry_jumppad:
0x0: {  	(pc) =	sbr.rel $0x88, $3  }
0x1: {  	(tag) =	ssettag $0x0;
	lr =	simm.s32 $0x1  }
0x2: {  	[smem:$0x3F9F] =	sst lr;
	_ =	strace $0xD0000000  }
0x3: {  	_ = 	snop  }
0x4: {  	_ = 	snop  }
0x5: {  	_ = 	snop  }
0x6: {  	_ = 	snop  }
0x7: {  	_ = 	snop  }
__scs_overlays_trampoline_lowered:
0x8: {  	[smem:$0x3FAE] =	sst s0  }
0x9: {  	[smem:$0x3FAF] =	sst s1  }
0xa: {  	[smem:$0x3FB0] =	sst s2  }
0xb: {  	[smem:$0x3FB1] =	sst s3  }
0xc: {  	[smem:$0x3FB2] =	sst s4  }
0xd: {  	[smem:$0x3FB3] =	sst s5  }
0xe: {  	[smem:$0x3FB4] =	sst s6  }
0xf: {  	[smem:$0x3FB5] =	sst s7  }
0x10: {  	[smem:$0x3FB6] =	sst s8  }
0x11: {  	[smem:$0x3FB7] =	sst s9;
	s0 =	simm.s32 @!p0 $0x0  }
0x12: {  	s1 =	sld [smem:$0x3F9D];
	s0 =	simm.s32 @p0 $0x1  }
0x13: {  	[smem:$0x3FB8] =	sst s0;
	s0 =	simm.s32 @!p1 $0x0  }
0x14: {  	s2 =	sld [smem:$0x3F9C];
	s0 =	simm.s32 @p1 $0x1  }
0x15: {  	[smem:$0x3FB9] =	sst s0;
	s0 =	simm.s32 @!p2 $0x0  }
0x16: {  	s3 =	sld [smem:$0x3FDB];
	s0 =	simm.s32 @p2 $0x1  }
0x17: {  	s4 =	simm.s32 $0x1BF5;
	[smem:$0x3FBB] =	sst s0  }
0x18: {  	s0 =	sld [smem:$0x3F9E];
	_ =	swait.ge [sflag:s4], $0x0  }
0x19: {  	s7 =	sld [smem:$0x3F9F]  }
0x1a: {  	s8 =	sadd.s32 $0xFFFFE003, lr  }
0x1b: {  	s9 =	sadd.s32 $0xFFFFFEF7, lr;
	s5 =	simm.s32 $0xFFFFFFFF;
	p2 =	slt.u32 s8, $0xFFFFF086  }
0x1c: {  	p1 =	slt.u32 s9, $0xF7A;
	s5 =	simm.s32 @!p2 $0x0  }
0x1d: {  	s5 =	simm.s32 @p1 $0x1;
	p0 =	seq.s32 s7, s2  }
0x1e: {  	s7 =	smul.u32 @!p0 $0xF7A, s2;
	p2 =	seq.s32 @!p0 s5, $0x0  }
0x1f: {  	s9 =	smul.u32 $0xF7A, s1;
	s8 =	simm.s32 @!p0 $0x1BF5;
	p2 =	por !p2, p0  }
0x20: {  	[sflag:s8] =	ssyncset.s32 @!p0 $0xFFFFF086;
	s6 =	sadd.s32 @!p0 s3, s7;
	s7 =	simm.s32 @!p0 $0x108  }
0x21: {  	s3 =	sadd.s32 s3, s9;
	s6 =	sadd.s32 @!p0 $0x88, s6;
	s7 =	simm.s32 @p2 $0x1082  }
0x22: {  	[simem:s7], [sflag:s8] =	dma.local @!p0 [hbm:s6], $0xF7A  }
0x23: {  	s9 =	sor.u32 $0xD0000000, s2;
	s6 =	simm.s32 $0x108;
	_ =	swait.ge @!p0 [sflag:s8], $0x0  }
0x24: {  	s3 =	sadd.s32 $0x88, s3;
	s6 =	simm.s32 @!p1 $0x1082;
	[sflag:s4] =	ssyncset.s32 $0xFFFFF086  }
0x25: {  	[simem:s6], [sflag:s4] =	dma.local [hbm:s3], $0xF7A  }
0x26: {  	[smem:$0x3F9F] =	sst s1;
	(tag) =	ssettag s2;
	_ =	strace s9  }
0x27: {  	s1 =	sld [smem:$0x3FAF]  }
0x28: {  	s2 =	sld [smem:$0x3FB0]  }
0x29: {  	s4 =	sld [smem:$0x3FB2]  }
0x2a: {  	p0 =	seq.s32 s5, $0x0;
	s5 =	sld [smem:$0x3FB3]  }
0x2b: {  	s6 =	sld [smem:$0x3FB4]  }
0x2c: {  	s7 =	sld [smem:$0x3FB5]  }
0x2d: {  	s3 =	simm.s32 $0x108;
	s8 =	sld [smem:$0x3FB6]  }
0x2e: {  	s3 =	simm.s32 @!p0 $0x1082;
	s9 =	sld [smem:$0x3FB7]  }
0x2f: {  	lr =	sadd.s32 s0, s3;
	s0 =	sld [smem:$0x3FAE]  }
0x30: {  	s3 =	sld [smem:$0x3FB1]  }
0x31: {  	[smem:$0x3FBA] =	sst s10  }
0x32: {  	s10 =	sld [smem:$0x3FB8];
	_ =	sdelay $0x3  }
0x33: {  	p0 =	seq.s32 s10, $0x1;
	s10 =	sld [smem:$0x3FBA];
	_ =	sdelay $0x3  }
0x34: {  	[smem:$0x3FBA] =	sst s10  }
0x35: {  	s10 =	sld [smem:$0x3FB9];
	_ =	sdelay $0x3  }
0x36: {  	p1 =	seq.s32 s10, $0x1;
	s10 =	sld [smem:$0x3FBA];
	_ =	sdelay $0x3  }
0x37: {  	[smem:$0x3FBA] =	sst s10  }
0x38: {  	s10 =	sld [smem:$0x3FBB]  }
0x39: {  	_ = 	snop;
	(pc) =	sbr.ind lr, $3  }
0x3a: {  	_ = 	snop  }
0x3b: {  	_ = 	snop  }
0x3c: {  	p2 =	seq.s32 s10, $0x1;
	s10 =	sld [smem:$0x3FBA]  }
0x3d: {  	_ =	shalt  }
0x3e: {  	_ =	shalt  }
0x3f: {  	_ =	shalt  }
0x40: {  	_ =	shalt  }
0x41: {  	_ =	shalt  }
0x42: {  	_ =	shalt  }
0x43: {  	_ =	shalt  }
0x44: {  	_ =	shalt  }
0x45: {  	_ =	shalt  }
0x46: {  	_ =	shalt  }
0x47: {  	_ =	shalt  }
0x48: {  	_ =	shalt  }
0x49: {  	_ =	shalt  }
0x4a: {  	_ =	shalt  }
0x4b: {  	_ =	shalt  }
0x4c: {  	_ =	shalt  }
0x4d: {  	_ =	shalt  }
0x4e: {  	_ =	shalt  }
0x4f: {  	_ =	shalt  }
0x50: {  	_ =	shalt  }
0x51: {  	_ =	shalt  }
0x52: {  	_ =	shalt  }
0x53: {  	_ =	shalt  }
0x54: {  	_ =	shalt  }
0x55: {  	_ =	shalt  }
0x56: {  	_ =	shalt  }
0x57: {  	_ =	shalt  }
0x58: {  	_ =	shalt  }
0x59: {  	_ =	shalt  }
0x5a: {  	_ =	shalt  }
0x5b: {  	_ =	shalt  }
0x5c: {  	_ =	shalt  }
0x5d: {  	_ =	shalt  }
0x5e: {  	_ =	shalt  }
0x5f: {  	_ =	shalt  }
0x60: {  	_ =	shalt  }
0x61: {  	_ =	shalt  }
0x62: {  	_ =	shalt  }
0x63: {  	_ =	shalt  }
0x64: {  	_ =	shalt  }
0x65: {  	_ =	shalt  }
0x66: {  	_ =	shalt  }
0x67: {  	_ =	shalt  }
0x68: {  	_ =	shalt  }
0x69: {  	_ =	shalt  }
0x6a: {  	_ =	shalt  }
0x6b: {  	_ =	shalt  }
0x6c: {  	_ =	shalt  }
0x6d: {  	_ =	shalt  }
0x6e: {  	_ =	shalt  }
0x6f: {  	_ =	shalt  }
0x70: {  	_ =	shalt  }
0x71: {  	_ =	shalt  }
0x72: {  	_ =	shalt  }
0x73: {  	_ =	shalt  }
0x74: {  	_ =	shalt  }
0x75: {  	_ =	shalt  }
0x76: {  	_ =	shalt  }
0x77: {  	_ =	shalt  }
0x78: {  	_ =	shalt  }
0x79: {  	_ =	shalt  }
0x7a: {  	_ =	shalt  }
0x7b: {  	_ =	shalt  }
0x7c: {  	_ =	shalt  }
0x7d: {  	_ =	shalt  }
0x7e: {  	_ =	shalt  }
0x7f: {  	_ =	shalt  }
0x80: {  	_ =	shalt  }
0x81: {  	_ =	shalt  }
0x82: {  	_ =	shalt  }
0x83: {  	_ =	shalt  }
0x84: {  	_ =	shalt  }
0x85: {  	_ =	shalt  }
0x86: {  	_ =	shalt  }
0x87: {  	_ =	shalt  }
.Lfunc_end0:
.L_simem_size_0:
called_computation_lowered:
.L_overlay_start_0:
0x88: {  	s2 =	sld [smem:$0x3FD9]  }
0x89: {  	s3 =	sld [smem:$0x3FFE];
	_ =	sdelay $0x1  }
0x8a: {  	s1 =	srdreg.scid  }
0x8b: {  	s0 =	sand.u32 $0x1, s1  }
0x8c: {  	s17 =	sshll.u32 s0, $0xA;
	s2 =	sadd.s32 s3, s2  }
0x8d: {  	s2 =	sadd.s32 s2, s17  }
0x8e: {  	[smem:$0x3FC6] =	sst s2  }
0x8f: {  	_ = 	snop  }
0x90: {  	s2 =	sld [smem:$0x3FC9];
	(tm) =	ssettm $0x1  }
0x91: {  	s18 =	sld [smem:$0x3FFB];
	_ =	sdelay $0x3  }
0x92: {  	_ =	strace s18  }
0x93: {  	s3 =	sld [smem:$0x3FFC];
	_ =	sdelay $0x3  }
0x94: {  	_ =	strace s3  }
0x95: {  	s3 =	sld [smem:$0x3FFD];
	_ =	sdelay $0x3  }
0x96: {  	_ =	strace s3  }
0x97: {  	_ =	strace $0x8FFFFFFF  }
0x98: {  	s19 =	sld [smem:$0x3FDB];
	_ =	sdelay $0x1  }
0x99: {  	s4 =	simm.s32 $_scs_section_size  }
0x9a: {  	s5 =	simm.s32 $_size__tile_overlayer_lowered;
	s6 =	simm.s32 $_tile_overlayer_lowered  }
0x9b: {  	s22 =	simm.s32 $0x1BFF;
	s21 =	sshll.u32 s6, $0x1;
	s3 =	sadd.s32 s4, s19  }
0x9c: {  	s7 =	simm.s32 $0x0;
	s20 =	sshll.u32 s5, $0x1;
	s5 =	sadd.s32 s21, s3  }
0x9d: {  	[timem:s7], [sflag:s22] =	dma.local [hbm:s5], s20  }
0x9e: {  	_ =	swait.ge [sflag:s22], s20  }
0x9f: {  	s4 =	ssub.s32 $0x0, s20;
	[sflag:s22] =	ssyncset.done $0x0  }
0xa0: {  	[sflag:s22] =	ssyncadd.s32 s4;
	_ =	sdelay $0x1  }
0xa1: {  	s23 =	simm.s32 $0x1B8B  }
0xa2: {  	_ =	swait.ge [sflag:s23], $0x1  }
0xa3: {  	[sflag:s23] =	ssyncset.done $0x0  }
0xa4: {  	s25 =	simm.s32 $0x1B8E;
	s24 =	sld [smem:$0x3FFE];
	[sflag:s23] =	ssyncadd.s32 $0xFFFFFFFF  }
0xa5: {  	s26 =	simm.s32 $execute0_lowered;
	[smem:$0x3FD2] =	sst s25  }
0xa6: {  	s5 =	sshll.u32 s26, $0x1;
	_ =	strace $0x80000046;
	[dreg:$0x1] =	wrdreg $0xFFFFFFFF  }
0xa7: {  	s28 =	simm.s32 $_size_execute0_lowered;
	s3 =	sadd.s32 s3, s5;
	[dreg:$0x0] =	wrdreg $0x0  }
0xa8: {  	s5 =	sshll.u32 s28, $0x1;
	[dreg:$0x2] =	wrdreg s3  }
0xa9: {  	[dreg:$0x3] =	wrdreg s5  }
0xaa: {  	[dreg:$0x4] =	wrdreg $0xC0  }
0xab: {  	_ =	task [dreg:s7], $0x5FFFF  }
0xac: {  	[dreg:$0x1] =	wrdreg $0xFFFFFFFF  }
0xad: {  	[dreg:$0x0] =	wrdreg $0x60  }
0xae: {  	[dreg:$0x2] =	wrdreg s24  }
0xaf: {  	[dreg:$0x3] =	wrdreg s2  }
0xb0: {  	[dreg:$0x4] =	wrdreg $0x9  }
0xb1: {  	_ =	task.clear_ibuf [dreg:s7], $0x5FFFF;
	_ =	strace $0x90000046  }
0xb2: {  	s29 =	simm.s32 $0x9;
	_ =	strace $0x80000048  }
0xb3: {  	_ =	swait.ge [sflag:s29], $0x1  }
0xb4: {  	[sflag:s29] =	ssyncadd.s32 $0xFFFFFFFF  }
0xb5: {  	_ =	strace $0x90000048  }
0xb6: {  	_ =	sfence  }
0xb7: {  	s30 =	sld [smem:$0x0];
	_ =	sdelay $0x2  }
0xb8: {  	s31 =	sshll.u32 s1, $0xD;
	s1 =	sshrl.u32 s1, $0x2  }
0xb9: {  	s3 =	sand.u32 $0x4000, s31;
	s1 =	sadd.s32 s1, s30  }
0xba: {  	s0 =	sor.u32 s3, s0;
	s1 =	sshll.u32 s1, $0x11  }
0xbb: {  	s0 =	sor.u32 s1, s0  }
0xbc: {  	s0 =	sadd.s32 $0x8F2B, s0  }
0xbd: {  	[sflag:s0] =	ssyncadd.remote.s32 $0x1  }
0xbe: {  	_ =	sfence.sel $0xFFFF  }
0xbf: {  	[dreg:$0x0] =	wrdreg $0xFFFFFFFF;
	(pc) =	sbr.abs _section_cstart, $3  }
0xc0: {  	[dreg:$0x1] =	wrdreg $0xFFFFFFFF  }
0xc1: {  	_ =	task.clear_ibuf [dreg:s7], $0x2FFFF;
	_ =	strace $0x9FFFFFFF  }
0xc2: {  	(tm) =	ssettm $0x7FFFFFFF  }
0xc3: {  	_ =	shalt  }
tec
execute0_lowered:
.L_overlay_start_1:
0x0: {  	(tag) =	ssettag $0x1  }
0x1: {  	s1 =	srdreg.scid;
	s0 =	stileid.u32  }
0x2: {  	s10 =	rddreg [dreg:$0x0];
	s12 =	sand.u32 $0x1, s1;
	s31 =	sshll.u32 s0, $0x1  }
0x3: {  	s4 =	rddreg [dreg:$0x1];
	s11 =	sor.u32 s12, s31  }
0x4: {  	s2 =	simm.s32 $0x0;
	s1 =	rddreg [dreg:$0x2];
	s6 =	sshll.u32 s11, $0x2  }
0x5: {  	[smem:$0x7FF] =	sst s2;
	s3 =	sadd.s32 s6, s10  }
0x6: {  	_ =	strace $0x80000047;
	s5 =	sadd.s32 $0xC00, s3;
	s3 =	simm.s32 $0x2  }
0x7: {  	[tilespmem:s2], [sflag:$0x2] =	stream.linear.gather [hbm4b:s5+s2], $0x20, $0x38;
	[tilespmem:$0x280] =	vst v63  }
0x8: {  	_ =	swait.ge [sflag:s3], $0x20  }
0x9: {  	[sflag:s3] =	ssyncset.done $0x0  }
0xa: {  	[sflag:s3] =	ssyncadd.s32 $0xFFFFFFE0  }
0xb: {  	v1 =	vld [tilespmem:$0x0]  }
0xc: {  	v2 =	vld [tilespmem:$0x10];
	_ =	sdelay $0x1  }
0xd: {  	v0 =	vlaneseq.u32  }
0xe: {  	v3 =	vshrl.u32 v0, $0x3  }
0xf: {  	v0 =	vor.u32 s6, v3;
	s6 =	sor.u32 $0x2, s6;
	v4 =	vshll.u32 v1, $0x7  }
0x10: {  	v1 =	vor.u32 s6, v3;
	v2 =	vshll.u32 v2, $0x7;
	v3 =	vor.u32 v0, v4  }
0x11: {  	s7 =	simm.s32 $0x80;
	v2 =	vadd.s32 v2, v1;
	[tilespmem:$0x80] =	vst v3  }
0x12: {  	s8 =	simm.s32 $0x100;
	s9 =	simm.s32 $0x1;
	s6 =	simm.s32 $0x20;
	[tilespmem:$0x90] =	vst v2  }
0x13: {  	[tilespmem:s8], [sflag:$0x1] =	stream.indirect.gather [hbm4b:s4+s6], $0x1, s7, s6, $0xb8;
	[tilespmem:$0x280] =	vst v63  }
0x14: {  	_ =	swait.ge [sflag:s9], $0x20  }
0x15: {  	[sflag:s9] =	ssyncset.done $0x0  }
0x16: {  	[sflag:s9] =	ssyncadd.s32 $0xFFFFFFE0  }
0x17: {  	v3 =	vld [tilespmem:$0x80];
	_ =	sdelay $0x1  }
0x18: {  	v4 =	vld [tilespmem:$0x90];
	_ =	sdelay $0x2  }
0x19: {  	v5 =	vbroadcast v3, $0x0  }
0x1a: {  	v6 =	vbroadcast v3, $0xF;
	v7 =	vbroadcast v3, $0x3  }
0x1b: {  	v8 =	vbroadcast v3, $0x9;
	v9 =	vbroadcast v4, $0x8  }
0x1c: {  	v11 =	vbroadcast v4, $0x4;
	v12 =	vbroadcast v3, $0x2  }
0x1d: {  	v13 =	vbroadcast v3, $0x1;
	v14 =	vbroadcast v4, $0x6  }
0x1e: {  	v31 =	vbroadcast v3, $0x6;
	v32 =	vbroadcast v4, $0x0  }
0x1f: {  	v17 =	vbroadcast v3, $0x4;
	v35 =	vbroadcast v4, $0x5  }
0x20: {  	v2 =	vimm.f32 $0.0e+00;
	v39 =	vbroadcast v3, $0x7;
	v40 =	vbroadcast v3, $0x8  }
0x21: {  	v41 =	vbroadcast v4, $0x7;
	vm0 =	veq.s32 v3, v5;
	v5 =	vbroadcast v3, $0xA  }
0x22: {  	vm2 =	veq.s32 v3, v7;
	v7 =	vbroadcast v4, $0x1;
	vm3 =	veq.s32 v3, v13  }
0x23: {  	vm10 =	veq.s32 v3, v12;
	v10 =	vsel vm0, $0x3F800000, v2;
	v13 =	vsel vm3, $0x3F800000, v2  }
0x24: {  	vm4 =	veq.s32 v4, v7;
	v7 =	vbroadcast v4, $0x2;
	v10 =	vadd.f32 v13, v10  }
0x25: {  	v46 =	vbroadcast v4, $0xA;
	v16 =	vsel vm10, $0x3F800000, v2;
	vm1 =	veq.s32 v3, v5  }
0x26: {  	v5 =	vbroadcast v4, $0x3;
	vm11 =	veq.s32 v4, v7;
	v7 =	vadd.f32 v10, v16  }
0x27: {  	v49 =	vbroadcast v3, $0xB;
	vm13 =	veq.s32 v3, v17;
	v15 =	vsel vm2, $0x3F800000, v2  }
0x28: {  	vm12 =	veq.s32 v4, v5;
	v5 =	vbroadcast v3, $0x5;
	v7 =	vadd.f32 v7, v15  }
0x29: {  	v51 =	vbroadcast v3, $0xC;
	v54 =	vbroadcast v3, $0xD;
	v37 =	vsel vm13, $0x3F800000, v2  }
0x2a: {  	v55 =	vbroadcast v4, $0x9;
	vm8 =	veq.s32 v3, v5;
	v5 =	vadd.f32 v7, v37  }
0x2b: {  	vm15 =	veq.s32 v4, v32;
	vm9 =	veq.s32 v3, v31;
	v38 =	vsel vm8, $0x3F800000, v2  }
0x2c: {  	v33 =	vsel vm4, $0x3F800000, v2;
	v7 =	vsel vm15, $0x3F800000, v2;
	v5 =	vadd.f32 v5, v38  }
0x2d: {  	vm0 =	veq.s32 v4, v9;
	v9 =	vsel vm9, $0x3F800000, v2;
	v7 =	vadd.f32 v33, v7  }
0x2e: {  	v34 =	vsel vm11, $0x3F800000, v2;
	vm11 =	veq.s32 v3, v39;
	v5 =	vadd.f32 v5, v9  }
0x2f: {  	v57 =	vbroadcast v3, $0xE;
	v42 =	vsel vm11, $0x3F800000, v2;
	v7 =	vadd.f32 v7, v34  }
0x30: {  	v36 =	vsel vm12, $0x3F800000, v2;
	vm12 =	veq.s32 v3, v40;
	v5 =	vadd.f32 v5, v42  }
0x31: {  	vm14 =	veq.s32 v4, v11;
	v44 =	vsel vm12, $0x3F800000, v2;
	v7 =	vadd.f32 v7, v36  }
0x32: {  	v43 =	vsel vm14, $0x3F800000, v2;
	vm14 =	veq.s32 v3, v8;
	v5 =	vadd.f32 v5, v44  }
0x33: {  	vm5 =	veq.s32 v4, v35;
	v47 =	vsel vm14, $0x3F800000, v2;
	v7 =	vadd.f32 v7, v43  }
0x34: {  	v61 =	vbroadcast v4, $0xB;
	v45 =	vsel vm5, $0x3F800000, v2;
	v5 =	vadd.f32 v5, v47  }
0x35: {  	vm10 =	veq.s32 v4, v14;
	v50 =	vsel vm1, $0x3F800000, v2;
	v7 =	vadd.f32 v7, v45  }
0x36: {  	vm5 =	veq.s32 v3, v49;
	v48 =	vsel vm10, $0x3F800000, v2;
	v5 =	vadd.f32 v5, v50  }
0x37: {  	vm13 =	veq.s32 v4, v41;
	v53 =	vsel vm5, $0x3F800000, v2;
	v7 =	vadd.f32 v7, v48  }
0x38: {  	vm6 =	veq.s32 v3, v51;
	v52 =	vsel vm13, $0x3F800000, v2;
	v5 =	vadd.f32 v5, v53  }
0x39: {  	vm7 =	veq.s32 v3, v54;
	v56 =	vsel vm6, $0x3F800000, v2;
	v7 =	vadd.f32 v7, v52  }
0x3a: {  	v59 =	vsel vm7, $0x3F800000, v2;
	v58 =	vsel vm0, $0x3F800000, v2;
	v5 =	vadd.f32 v5, v56  }
0x3b: {  	vm9 =	veq.s32 v3, v57;
	vm8 =	veq.s32 v4, v55;
	v7 =	vadd.f32 v7, v58  }
0x3c: {  	v62 =	vsel vm9, $0x3F800000, v2;
	v60 =	vsel vm8, $0x3F800000, v2;
	v5 =	vadd.f32 v5, v59  }
0x3d: {  	vm10 =	veq.s32 v3, v6;
	vm15 =	veq.s32 v4, v46;
	v7 =	vadd.f32 v7, v60  }
0x3e: {  	v6 =	vbroadcast v4, $0xC;
	v3 =	vadd.f32 v5, v62;
	v5 =	vsel vm15, $0x3F800000, v2  }
0x3f: {  	v63 =	vsel vm10, $0x3F800000, v2;
	vm11 =	veq.s32 v4, v61;
	v5 =	vadd.f32 v7, v5  }
0x40: {  	v7 =	vsel vm11, $0x3F800000, v2;
	v3 =	vadd.f32 v3, v63  }
0x41: {  	vm12 =	veq.s32 v4, v6;
	v6 =	vbroadcast v4, $0xD;
	v5 =	vadd.f32 v5, v7  }
0x42: {  	(erf) = vrcp.f32 v3;
	v3 =	vsel vm12, $0x3F800000, v2  }
0x43: {  	vm13 =	veq.s32 v4, v6;
	v6 =	vbroadcast v4, $0xE;
	v3 =	vadd.f32 v5, v3  }
0x44: {  	v5 =	vsel vm13, $0x3F800000, v2  }
0x45: {  	vm14 =	veq.s32 v4, v6;
	v6 =	vbroadcast v4, $0xF;
	v3 =	vadd.f32 v3, v5  }
0x46: {  	v5 =	vsel vm14, $0x3F800000, v2  }
0x47: {  	vm15 =	veq.s32 v4, v6;
	v3 =	vadd.f32 v3, v5  }
0x48: {  	v4 =	vsel vm15, $0x3F800000, v2  }
0x49: {  	v3 =	vadd.f32 v3, v4  }
0x4a: {  	s12 =	ssub.s32 $0x2, s12  }
0x4b: {  	s13 =	sshrl.u32 s12, $0x1;
	v4 =	vpop (erf);
	(erf) = vrcp.f32 v3  }
0x4c: {  	s12 =	ssub.s32 s12, s13  }
0x4d: {  	s14 =	smax.u32 s12, $0x1  }
0x4e: {  	p0 =	sne.s32 s14, $0x1;
	v7 =	vld [tilespmem:$0x100]  }
.Ltmp0:
0x4f: {  	_ = 	snop;
	(pc) =	sbr.rel @!p0 .LBB2_2-.Ltmp0, $4  }
0x50: {  	s11 =	sshll.u32 s11, $0x4;
	v3 =	vld [tilespmem:$0x110]  }
0x51: {  	s10 =	sadd.s32 s11, s10  }
0x52: {  	s13 =	simm.s32 $0x180;
	s11 =	sadd.s32 $0xE00, s10  }
0x53: {  	s10 =	sadd.s32 $0x1000, s10;
	s12 =	simm.s32 $0x200;
	s14 =	sadd.s32 $0xFFFFFFFF, s14;
	v5 =	vmul.f32 v4, v7;
	v4 =	vadd.f32 $0.0e+00, v4  }
.LBB2_1:
0x54: {  	p0 =	sne.s32 s14, $0x1;
	s14 =	sadd.s32 $0xFFFFFFFF, s14;
	v6 =	vpop (erf)  }
0x55: {  	v5 =	vadd.f32 $0.0e+00, v5;
	v3 =	vmul.f32 v6, v3;
	v4 =	vadd.f32 v6, v4;
	_ =	sdelay $0x1  }
0x56: {  	v3 =	vadd.f32 v3, v5;
	[tilespmem:$0x200] =	vst v4;
	_ =	sdelay $0x1  }
0x57: {  	[tilespmem:$0x180] =	vst v3  }
0x58: {  	[hbm4b:s11+s2] =	stream.linear.scatter [tilespmem:s13], [sflag:$0x2], $0x80, $0x38;
	[tilespmem:$0x280] =	vst v63  }
0x59: {  	_ =	swait.ge [sflag:s3], $0x80  }
0x5a: {  	[sflag:s3] =	ssyncset.done $0x0  }
0x5b: {  	[sflag:s3] =	ssyncadd.s32 $0xFFFFFF80  }
0x5c: {  	[hbm4b:s10+s2] =	stream.linear.scatter [tilespmem:s12], [sflag:$0x2], $0x80, $0x38;
	[tilespmem:$0x280] =	vst v63  }
0x5d: {  	_ =	swait.ge [sflag:s3], $0x80  }
0x5e: {  	[sflag:s3] =	ssyncset.done $0x0  }
0x5f: {  	[sflag:s3] =	ssyncadd.s32 $0xFFFFFF80  }
0x60: {  	[tilespmem:s2], [sflag:$0x2] =	stream.linear.gather [hbm4b:s5+s2], $0x20, $0x38;
	[tilespmem:$0x280] =	vst v63  }
0x61: {  	_ =	swait.ge [sflag:s3], $0x20  }
0x62: {  	[sflag:s3] =	ssyncset.done $0x0  }
0x63: {  	[sflag:s3] =	ssyncadd.s32 $0xFFFFFFE0  }
0x64: {  	v3 =	vld [tilespmem:$0x0]  }
0x65: {  	v4 =	vld [tilespmem:$0x10];
	_ =	sdelay $0x3  }
0x66: {  	v3 =	vshll.u32 v3, $0x7  }
0x67: {  	v3 =	vor.u32 v0, v3;
	v4 =	vshll.u32 v4, $0x7  }
0x68: {  	[tilespmem:$0x80] =	vst v3;
	v3 =	vadd.s32 v4, v1  }
0x69: {  	[tilespmem:$0x90] =	vst v3  }
0x6a: {  	[tilespmem:s8], [sflag:$0x1] =	stream.indirect.gather [hbm4b:s4+s6], $0x1, s7, s6, $0xb8;
	[tilespmem:$0x280] =	vst v63  }
0x6b: {  	_ =	swait.ge [sflag:s9], $0x20  }
0x6c: {  	[sflag:s9] =	ssyncset.done $0x0  }
0x6d: {  	[sflag:s9] =	ssyncadd.s32 $0xFFFFFFE0  }
0x6e: {  	v4 =	vld [tilespmem:$0x80]  }
0x6f: {  	v3 =	vld [tilespmem:$0x90];
	_ =	sdelay $0x3  }
0x70: {  	v6 =	vbroadcast v4, $0x0;
	v5 =	vbroadcast v4, $0xF  }
0x71: {  	v7 =	vbroadcast v4, $0x3;
	v8 =	vbroadcast v4, $0x9  }
0x72: {  	v9 =	vbroadcast v3, $0x8;
	vm0 =	veq.s32 v4, v6;
	v6 =	vbroadcast v4, $0xA  }
0x73: {  	vm2 =	veq.s32 v4, v7;
	v7 =	vbroadcast v3, $0x4;
	v10 =	vsel vm0, $0x3F800000, v2  }
0x74: {  	v11 =	vbroadcast v4, $0x2;
	vm0 =	veq.s32 v4, v6;
	v6 =	vbroadcast v3, $0x1  }
0x75: {  	v12 =	vbroadcast v3, $0x3;
	v13 =	vbroadcast v3, $0x6;
	vm1 =	veq.s32 v3, v9  }
0x76: {  	v9 =	vbroadcast v4, $0x6;
	vm3 =	veq.s32 v3, v6;
	v6 =	vbroadcast v3, $0x2  }
0x77: {  	v15 =	vbroadcast v3, $0x0;
	v14 =	vsel vm2, $0x3F800000, v2;
	v16 =	vsel vm3, $0x3F800000, v2  }
0x78: {  	vm2 =	veq.s32 v4, v11;
	v11 =	vbroadcast v4, $0x4;
	vm3 =	veq.s32 v3, v6  }
0x79: {  	v18 =	vbroadcast v3, $0x5;
	v6 =	vsel vm2, $0x3F800000, v2;
	v17 =	vsel vm3, $0x3F800000, v2  }
0x7a: {  	v19 =	vbroadcast v4, $0x1;
	vm2 =	veq.s32 v3, v12;
	vm3 =	veq.s32 v3, v7  }
0x7b: {  	vm4 =	veq.s32 v3, v13;
	v7 =	vsel vm2, $0x3F800000, v2;
	vm2 =	veq.s32 v3, v18  }
0x7c: {  	vm5 =	veq.s32 v4, v19;
	vm6 =	veq.s32 v3, v15;
	v12 =	vbroadcast v3, $0x7  }
0x7d: {  	v13 =	vsel vm5, $0x3F800000, v2;
	v15 =	vsel vm6, $0x3F800000, v2;
	v18 =	vsel vm3, $0x3F800000, v2  }
0x7e: {  	v10 =	vadd.f32 v13, v10;
	v13 =	vadd.f32 v16, v15;
	vm3 =	veq.s32 v3, v12  }
0x7f: {  	v16 =	vbroadcast v3, $0xA;
	v12 =	vbroadcast v4, $0x5;
	v15 =	vsel vm2, $0x3F800000, v2  }
0x80: {  	v6 =	vadd.f32 v10, v6;
	v10 =	vbroadcast v4, $0x7;
	vm2 =	veq.s32 v4, v11  }
0x81: {  	v11 =	vsel vm4, $0x3F800000, v2;
	vm4 =	veq.s32 v3, v16;
	vm5 =	veq.s32 v4, v12  }
0x82: {  	v6 =	vadd.f32 v6, v14;
	v12 =	vadd.f32 v13, v17;
	v13 =	vbroadcast v3, $0x9  }
0x83: {  	v14 =	vsel vm2, $0x3F800000, v2;
	vm2 =	veq.s32 v4, v10;
	v10 =	vsel vm3, $0x3F800000, v2  }
0x84: {  	v6 =	vadd.f32 v6, v14;
	v7 =	vadd.f32 v12, v7;
	vm3 =	veq.s32 v3, v13  }
0x85: {  	v14 =	vsel vm1, $0x3F800000, v2;
	v12 =	vsel vm5, $0x3F800000, v2;
	v13 =	vbroadcast v4, $0x8  }
0x86: {  	vm1 =	veq.s32 v4, v9;
	v6 =	vadd.f32 v6, v12;
	v7 =	vadd.f32 v7, v18  }
0x87: {  	v9 =	vsel vm1, $0x3F800000, v2;
	v12 =	vsel vm3, $0x3F800000, v2;
	vm1 =	veq.s32 v4, v13  }
0x88: {  	v6 =	vadd.f32 v6, v9;
	v9 =	vbroadcast v3, $0xB;
	v7 =	vadd.f32 v7, v15  }
0x89: {  	v16 =	vbroadcast v3, $0xC;
	v13 =	vsel vm2, $0x3F800000, v2;
	v15 =	vsel vm4, $0x3F800000, v2  }
0x8a: {  	v6 =	vadd.f32 v6, v13;
	vm2 =	veq.s32 v3, v9;
	v7 =	vadd.f32 v7, v11  }
0x8b: {  	v9 =	vsel vm1, $0x3F800000, v2;
	vm1 =	veq.s32 v3, v16;
	v11 =	vsel vm2, $0x3F800000, v2  }
0x8c: {  	vm2 =	veq.s32 v4, v8;
	v6 =	vadd.f32 v6, v9;
	v7 =	vadd.f32 v7, v10  }
0x8d: {  	v8 =	vsel vm2, $0x3F800000, v2;
	v9 =	vbroadcast v4, $0xB;
	v10 =	vsel vm1, $0x3F800000, v2  }
0x8e: {  	v6 =	vadd.f32 v6, v8;
	v8 =	vbroadcast v4, $0xC;
	v7 =	vadd.f32 v7, v14  }
0x8f: {  	v13 =	vsel vm0, $0x3F800000, v2;
	vm0 =	veq.s32 v4, v9;
	v9 =	vbroadcast v3, $0xD  }
0x90: {  	v6 =	vadd.f32 v6, v13;
	vm1 =	veq.s32 v4, v8;
	v7 =	vadd.f32 v7, v12  }
0x91: {  	v8 =	vsel vm0, $0x3F800000, v2;
	vm0 =	veq.s32 v3, v9;
	v12 =	vbroadcast v4, $0xD  }
0x92: {  	v6 =	vadd.f32 v6, v8;
	v8 =	vbroadcast v3, $0xE;
	v7 =	vadd.f32 v7, v15  }
0x93: {  	v9 =	vsel vm1, $0x3F800000, v2;
	vm1 =	veq.s32 v4, v12;
	v12 =	vbroadcast v4, $0xE  }
0x94: {  	v6 =	vadd.f32 v6, v9;
	vm2 =	veq.s32 v3, v8;
	v7 =	vadd.f32 v7, v11  }
0x95: {  	v8 =	vsel vm1, $0x3F800000, v2;
	v9 =	vsel vm0, $0x3F800000, v2;
	vm1 =	veq.s32 v4, v12  }
0x96: {  	v6 =	vadd.f32 v6, v8;
	v8 =	vbroadcast v3, $0xF;
	v7 =	vadd.f32 v7, v10  }
0x97: {  	vm0 =	veq.s32 v4, v5;
	v4 =	vsel vm2, $0x3F800000, v2;
	v10 =	vsel vm1, $0x3F800000, v2  }
0x98: {  	v5 =	vadd.f32 v6, v10;
	vm1 =	veq.s32 v3, v8;
	v6 =	vadd.f32 v7, v9  }
0x99: {  	v3 =	vsel vm0, $0x3F800000, v2;
	v7 =	vsel vm1, $0x3F800000, v2  }
0x9a: {  	v3 =	vadd.f32 v5, v3;
	v4 =	vadd.f32 v6, v4;
	_ =	sdelay $0x1  }
0x9b: {  	v4 =	vadd.f32 v4, v7;
	(erf) = vrcp.f32 v3;
	_ =	sdelay $0x1  }
0x9c: {  	(erf) = vrcp.f32 v4;
	_ =	sdelay $0x2  }
0x9d: {  	v4 =	vld [tilespmem:$0x100]  }
.Ltmp1:
0x9e: {  	(pc) =	sbr.rel @p0 .LBB2_1-.Ltmp1, $3  }
0x9f: {  	v3 =	vld [tilespmem:$0x110];
	_ =	sdelay $0x1  }
0xa0: {  	v6 =	vpop (erf)  }
0xa1: {  	v5 =	vmul.f32 v6, v4;
	v4 =	vadd.f32 $0.0e+00, v6  }
.LBB2_2:
0xa2: {  	v0 =	vpop (erf)  }
0xa3: {  	v1 =	vadd.f32 $0.0e+00, v5;
	v2 =	vmul.f32 v0, v3  }
0xa4: {  	v0 =	vadd.f32 v0, v4  }
0xa5: {  	v1 =	vadd.f32 v2, v1  }
0xa6: {  	[tilespmem:$0x200] =	vst v0  }
0xa7: {  	[tilespmem:$0x180] =	vst v1  }
0xa8: {  	[hbm4b:s11+s2] =	stream.linear.scatter [tilespmem:s13], [sflag:$0x2], $0x80, $0x38;
	[tilespmem:$0x280] =	vst v63  }
0xa9: {  	_ =	swait.ge [sflag:s3], $0x80  }
0xaa: {  	[sflag:s3] =	ssyncset.done $0x0  }
0xab: {  	[sflag:s3] =	ssyncadd.s32 $0xFFFFFF80  }
0xac: {  	[hbm4b:s10+s2] =	stream.linear.scatter [tilespmem:s12], [sflag:$0x2], $0x80, $0x38;
	[tilespmem:$0x280] =	vst v63  }
0xad: {  	_ =	swait.ge [sflag:s3], $0x80  }
0xae: {  	[sflag:s3] =	ssyncset.done $0x0  }
0xaf: {  	[sflag:s3] =	ssyncadd.s32 $0xFFFFFF80  }
0xb0: {  	_ =	sfence.sel $0x180000  }
0xb1: {  	[bflag:$0x0] =	sbarrier.arrive $0xFFFF  }
0xb2: {  	p0 =	sne.s32 s0, $0x0;
	_ =	strace $0x90000047  }
0xb3: {  	s0 =	sadd.s32 @!p0 $0x100000, s1;
	[bflag:$0x2] =	sbarrier.arrive $0xFFFF  }
0xb4: {  	[sflag:s0] =	ssyncadd.tile.s32 @!p0 $0x1;
	_ =	shalt  }
.Lfunc_end2:
_tile_overlayer_lowered:
.L_overlay_start_2:
0xb5: {  	(tag) =	ssettag $0x2  }
0xb6: {  	s0 =	rddreg [dreg:$0x0];
	s2 =	stileid.u32  }
0xb7: {  	s1 =	rddreg [dreg:$0x1];
	p0 =	sne.s32 s2, $0x0  }
0xb8: {  	s3 =	rddreg [dreg:$0x2];
	[bflag:$0x3] =	sbarrier.arrive $0xFFFF;
	s2 =	simm.s32 @!p0 $0x1C02  }
0xb9: {  	[timem:s3], [sflag:s2] =	dma.local @!p0 [hbm:s0], s1  }
0xba: {  	s0 =	simm.s32 @!p0 $0x2  }
0xbb: {  	_ =	swait.ge @!p0 [sflag:s0], s1  }
0xbc: {  	s1 =	ssub.s32 @!p0 $0x0, s1;
	[sflag:s0] =	ssyncset.done @!p0 $0x0  }
0xbd: {  	[sflag:s0] =	ssyncadd.s32 @!p0 s1  }
0xbe: {  	[bflag:$0x3] =	sbarrier.arrive $0xFFFF  }
0xbf: {  	_ =	shalt  }

</sc_bundles>
